<compile_context>
chip_gen: v7x
topology: tpu7x:2x2x1
jax: 0.10.2.dev20260603
libtpu: 0.0.44.dev20260713+nightly
codegen_flags: <defaults>
</compile_context>

<pallas_src>
import functools

import jax
import jax.numpy as jnp
from jax import lax
from jax.experimental import pallas as pl
from jax.experimental.pallas import tpu as pltpu
from jax.experimental.pallas import tpu_sc as plsc

_L = 16
_NC = 2
_NS = 16
_NW = _NC * _NS

_X0, _X1 = -51.2, 51.2
_Y0, _Y1 = -51.2, 51.2
_Z0, _Z1 = -5.0, 3.0
_DX = (_X1 - _X0) / 200.0
_DY = (_Y1 - _Y0) / 200.0
_NROWS = 20
_UNROLL = 8
import numpy as _np
_IDX = float(_np.float32(1.0) / _np.float32(_DX))
_IDY = float(_np.float32(1.0) / _np.float32(_DY))


@functools.cache
def _make_sc_call(npad: int):
    b_per_w = npad // _NW
    nvec = b_per_w // _L
    mesh = plsc.VectorSubcoreMesh(core_axis_name="c", subcore_axis_name="s",
                                  num_cores=_NC, num_subcores=_NS)

    @functools.partial(
        pl.kernel,
        out_type=[
            jax.ShapeDtypeStruct((npad,), jnp.int32),
            jax.ShapeDtypeStruct((npad,), jnp.int32),
            jax.ShapeDtypeStruct((npad,), jnp.int32),
        ],
        mesh=mesh,
        scratch_types=[
            pltpu.VMEM((b_per_w,), jnp.float32),
            pltpu.VMEM((b_per_w,), jnp.float32),
            pltpu.VMEM((b_per_w,), jnp.float32),
            pltpu.VMEM((_NROWS, _L), jnp.float32),
            pltpu.VMEM((b_per_w,), jnp.int32),
            pltpu.VMEM((b_per_w,), jnp.int32),
            pltpu.VMEM((b_per_w,), jnp.int32),
        ],
    )
    def call(u_hbm, v_hbm, d_hbm, p_hbm, m_hbm, i_hbm, j_hbm,
             u_v, v_v, d_v, p_v, m_v, i_v, j_v):
        wid = lax.axis_index("s") * _NC + lax.axis_index("c")
        base = wid * b_per_w
        pltpu.sync_copy(u_hbm.at[pl.ds(base, b_per_w)], u_v)
        pltpu.sync_copy(v_hbm.at[pl.ds(base, b_per_w)], v_v)
        pltpu.sync_copy(d_hbm.at[pl.ds(base, b_per_w)], d_v)
        pltpu.sync_copy(p_hbm, p_v)

        def body(k, carry):
            cx, cy, ifx, ify = p_v[0], p_v[1], p_v[2], p_v[3]
            r00, r01, r02 = p_v[4], p_v[5], p_v[6]
            r10, r11, r12 = p_v[7], p_v[8], p_v[9]
            r20, r21, r22 = p_v[10], p_v[11], p_v[12]
            t0, t1, t2 = p_v[13], p_v[14], p_v[15]
            umax, vmax = p_v[16], p_v[17]
            jmax, imax = p_v[18], p_v[19]
            for t_ in range(_UNROLL):
                body_one(k * _UNROLL + t_, cx, cy, ifx, ify,
                         r00, r01, r02, r10, r11, r12, r20, r21, r22,
                         t0, t1, t2, umax, vmax, jmax, imax)
            return carry

        def body_one(kv, cx, cy, ifx, ify,
                     r00, r01, r02, r10, r11, r12, r20, r21, r22,
                     t0, t1, t2, umax, vmax, jmax, imax):
            off = kv * _L
            u_raw = u_v[pl.ds(off, _L)]
            v_raw = v_v[pl.ds(off, _L)]
            dep = d_v[pl.ds(off, _L)]

            one = jnp.full((16,), 1, jnp.int32)
            zero = jnp.full((16,), 0, jnp.int32)
            u05 = u_raw + 0.5
            v05 = v_raw + 0.5
            ui = u05.astype(jnp.int32)
            vi = v05.astype(jnp.int32)
            utie = (ui.astype(jnp.float32) == u05) & ((ui & 1) == 1)
            vtie = (vi.astype(jnp.float32) == v05) & ((vi & 1) == 1)
            ui = ui - jnp.where(utie, one, zero)
            vi = vi - jnp.where(vtie, one, zero)
            u = jnp.minimum(jnp.maximum(ui.astype(jnp.float32), 0.0), umax)
            v = jnp.minimum(jnp.maximum(vi.astype(jnp.float32), 0.0), vmax)

            a = (u - cx) * ifx
            b = (v - cy) * ify
            s = a * a + b * b + 1.0
            hs = 0.5 * s
            r = 1.0 / s
            r = r * (1.5 - hs * r * r)
            r = r * (1.5 - hs * r * r)
            r = r * (1.5 - hs * r * r)
            r = r * (1.5 - hs * r * r)
            def _bf16(x_):
                c_ = x_ * 65537.0
                return c_ - (c_ - x_)
            dx = _bf16(a * r)
            dy = _bf16(b * r)
            dz = _bf16(r)

            x = t0 + (r00 * dx + r01 * dy + r02 * dz) * dep
            y = t1 + (r10 * dx + r11 * dy + r12 * dz) * dep
            z = t2 + (r20 * dx + r21 * dy + r22 * dz) * dep

            m = ((x >= _X0) & (x < _X1) & (y >= _Y0) & (y < _Y1)
                 & (z >= _Z0) & (z < _Z1))

            jf = jnp.minimum(jnp.maximum((x - _X0) * _IDX, 0.0), jmax)
            if_ = jnp.minimum(jnp.maximum((y - _Y0) * _IDY, 0.0), imax)
            jc = jf.astype(jnp.int32)
            ic = if_.astype(jnp.int32)
            neg1 = jnp.full((16,), -1, jnp.int32)

            m_v[pl.ds(off, _L)] = jnp.where(m, one, zero)
            i_v[pl.ds(off, _L)] = jnp.where(m, ic, neg1)
            j_v[pl.ds(off, _L)] = jnp.where(m, jc, neg1)

        lax.fori_loop(0, nvec // _UNROLL, body, 0)

        pltpu.sync_copy(m_v, m_hbm.at[pl.ds(base, b_per_w)])
        pltpu.sync_copy(i_v, i_hbm.at[pl.ds(base, b_per_w)])
        pltpu.sync_copy(j_v, j_hbm.at[pl.ds(base, b_per_w)])

    return call


def kernel(pix_uv, depth_mu, K, T_cam2ego, H, W, Hb, Wb):
    N = pix_uv.shape[0]
    chunk = _NW * _L * _UNROLL
    npad = ((N + chunk - 1) // chunk) * chunk

    u_pad = jnp.pad(pix_uv[:, 0], (0, npad - N))
    v_pad = jnp.pad(pix_uv[:, 1], (0, npad - N))
    d_pad = jnp.pad(depth_mu, (0, npad - N))

    R = T_cam2ego[:3, :3]
    t = T_cam2ego[:3, 3]
    vals = jnp.stack([
        K[0, 2], K[1, 2], 1.0 / K[0, 0], 1.0 / K[1, 1],
        R[0, 0], R[0, 1], R[0, 2],
        R[1, 0], R[1, 1], R[1, 2],
        R[2, 0], R[2, 1], R[2, 2],
        t[0], t[1], t[2],
        jnp.float32(W - 1), jnp.float32(H - 1),
        jnp.float32(Wb - 1), jnp.float32(Hb - 1),
    ]).astype(jnp.float32)
    params = jnp.broadcast_to(vals[:, None], (_NROWS, _L))

    m_i32, i_arr, j_arr = _make_sc_call(npad)(u_pad, v_pad, d_pad, params)

    m = m_i32[:N].astype(bool)
    ij = jnp.stack([i_arr[:N], j_arr[:N]], axis=-1)
    return (m, ij)

# --- scband reference (transcript-rebuilt; emitter-appended) ---
"""Pipeline reference for scband-lite-cam-projector-82197084111473 (READ-ONLY COPY).

The authoritative reference and input builder live on the scoring server;
editing this copy changes nothing except your own understanding.
"""

import jax, jax.numpy as jnp
import numpy as np

BEV_H = 200
BEV_W = 200
X_RANGE = (-51.2, 51.2)
Y_RANGE = (-51.2, 51.2)
Z_RANGE = (-5.0, 3.0)
DX = (X_RANGE[1] - X_RANGE[0]) / BEV_W
DY = (Y_RANGE[1] - Y_RANGE[0]) / BEV_H


def setup_inputs(seed: int = 0) -> dict:
    key = jax.random.key(seed)
    k1, k2 = jax.random.split(key, 2)
    N = 100000
    H, W = 900, 1600
    # pixel coords uniformly over the image plane (nuScenes-like 900x1600 camera)
    pix_uv = jax.random.uniform(k1, (N, 2), dtype=jnp.float32) * jnp.array([W - 1.0, H - 1.0], dtype=jnp.float32)
    # depths in [1, 61) meters
    depth_mu = jax.random.uniform(k2, (N,), dtype=jnp.float32) * 60.0 + 1.0
    # realistic pinhole intrinsics
    K = jnp.array([[1266.4, 0.0, 816.3],
                   [0.0, 1266.4, 491.5],
                   [0.0, 0.0, 1.0]], dtype=jnp.float32)
    # cam->ego extrinsic: camera looking along ego +x, mounted 1.6m up, 1.5m forward
    T_cam2ego = jnp.array([[0.0, 0.0, 1.0, 1.5],
                           [-1.0, 0.0, 0.0, 0.0],
                           [0.0, -1.0, 0.0, 1.6],
                           [0.0, 0.0, 0.0, 1.0]], dtype=jnp.float32)
    return {"pix_uv": pix_uv, "depth_mu": depth_mu, "K": K, "T_cam2ego": T_cam2ego,
            "H": H, "W": W, "Hb": BEV_H, "Wb": BEV_W}


def _unit_rays(H, W, K):
    fx, fy, cx, cy = K[0, 0], K[1, 1], K[0, 2], K[1, 2]
    v = jnp.arange(900, dtype=jnp.float32) + jnp.asarray(H - 900, dtype=jnp.float32)
    u = jnp.arange(1600, dtype=jnp.float32) + jnp.asarray(W - 1600, dtype=jnp.float32)
    vv, uu = jnp.meshgrid(v, u, indexing='ij')
    x = (uu - cx) / fx
    y = (vv - cy) / fy
    z = jnp.ones_like(x)
    dirs = jnp.stack([x, y, z], axis=-1)
    nrm = jnp.clip(jnp.linalg.norm(dirs, axis=-1, keepdims=True), 1e-6, None)
    return dirs / nrm


def reference(pix_uv, depth_mu, K, T_cam2ego, H, W, Hb, Wb):
    rays = _unit_rays(H, W, K)  # [H, W, 3]
    u = jnp.clip(jnp.round(pix_uv[:, 0]).astype(jnp.int32), 0, W - 1)
    v = jnp.clip(jnp.round(pix_uv[:, 1]).astype(jnp.int32), 0, H - 1)
    dir_cam = rays[v, u, :]  # gather [N, 3]
    R = T_cam2ego[:3, :3]
    t = T_cam2ego[:3, 3]
    dir_ego = (R @ dir_cam.T).T
    xyz = t[None, :] + dir_ego * depth_mu[:, None]
    x, y, z = xyz[:, 0], xyz[:, 1], xyz[:, 2]
    m = ((x >= X_RANGE[0]) & (x < X_RANGE[1]) &
         (y >= Y_RANGE[0]) & (y < Y_RANGE[1]) &
         (z >= Z_RANGE[0]) & (z < Z_RANGE[1]))
    j = jnp.clip(((x - X_RANGE[0]) / DX).astype(jnp.int32), 0, Wb - 1)
    i = jnp.clip(((y - Y_RANGE[0]) / DY).astype(jnp.int32), 0, Hb - 1)
    ij = jnp.stack([i, j], axis=-1)
    # torch version compacts ij to only masked rows (dynamic shape); for jit-friendly
    # static shapes we keep full length and mark out-of-range tokens with -1.
    ij = jnp.where(m[:, None], ij, -1)
    return (m, ij)

if __name__ == "__main__":
    import jax
    _d = setup_inputs()
    print(jax.jit(kernel)(*tuple(_d.values())))

</pallas_src>

<mosaic_0001>
#map = affine_map<(d0, d1) -> (0)>
#map1 = affine_map<(d0, d1) -> (0, 0)>
module attributes {stable_mosaic.version = 14 : i64} {
  func.func @call(%arg0: i32, %arg1: i32, %arg2: memref<102400xf32, #tpu.memory_space<hbm>>, %arg3: memref<102400xf32, #tpu.memory_space<hbm>>, %arg4: memref<102400xf32, #tpu.memory_space<hbm>>, %arg5: memref<20x16xf32, #tpu.memory_space<hbm>>, %arg6: memref<102400xi32, #tpu.memory_space<hbm>>, %arg7: memref<102400xi32, #tpu.memory_space<hbm>>, %arg8: memref<102400xi32, #tpu.memory_space<hbm>>, %arg9: memref<3200xf32, #tpu.memory_space<vmem>>, %arg10: memref<3200xf32, #tpu.memory_space<vmem>>, %arg11: memref<3200xf32, #tpu.memory_space<vmem>>, %arg12: memref<20x16xf32, #tpu.memory_space<vmem>>, %arg13: memref<3200xi32, #tpu.memory_space<vmem>>, %arg14: memref<3200xi32, #tpu.memory_space<vmem>>, %arg15: memref<3200xi32, #tpu.memory_space<vmem>>) attributes {dimension_semantics = [#tpu.dimension_semantics<core_parallel>, #tpu.dimension_semantics<subcore_parallel>], iteration_bounds = array<i64: 2, 16>, scalar_prefetch = 0 : i64, scratch_operands = 7 : i64, tpu.core_type = #tpu.core_type<sc_vector_subcore>, window_params = [{transform_indices = #map}, {transform_indices = #map}, {transform_indices = #map}, {transform_indices = #map1}, {transform_indices = #map}, {transform_indices = #map}, {transform_indices = #map}]} {
    %mul3A = arith.constant 2 : i32
    %mul3A_0 = arith.muli %arg1, %mul3A : i32
    %add3A = arith.addi %mul3A_0, %arg0 : i32
    %mul3A_1 = arith.constant 3200 : i32
    %mul3A_2 = arith.muli %add3A, %mul3A_1 : i32
    "tpu.region"() ({
      %run_scoped3A = tpu.sem_alloc : memref<!tpu.dma_semaphore, #tpu.memory_space<semaphore_mem>>
      %dma_start3A = tpu.memref_slice %arg2[%mul3A_2] : memref<102400xf32, #tpu.memory_space<hbm>> -> memref<3200xf32, #tpu.memory_space<hbm>>
      %dma_start3A_8 = tpu.memref_slice %arg2[%mul3A_2] : memref<102400xf32, #tpu.memory_space<hbm>> -> memref<3200xf32, #tpu.memory_space<hbm>>
      tpu.enqueue_dma source(%dma_start3A_8 : memref<3200xf32, #tpu.memory_space<hbm>>) target(%arg9 : memref<3200xf32, #tpu.memory_space<vmem>>) target_semaphore(%run_scoped3A : memref<!tpu.dma_semaphore, #tpu.memory_space<semaphore_mem>>)
      %dma_wait3A = tpu.memref_slice %arg2[%mul3A_2] : memref<102400xf32, #tpu.memory_space<hbm>> -> memref<3200xf32, #tpu.memory_space<hbm>>
      %dma_wait3A_9 = tpu.memref_slice %arg2[%mul3A_2] : memref<102400xf32, #tpu.memory_space<hbm>> -> memref<3200xf32, #tpu.memory_space<hbm>>
      tpu.wait_dma2 semaphore(%run_scoped3A : memref<!tpu.dma_semaphore, #tpu.memory_space<semaphore_mem>>) src(%dma_wait3A_9 : memref<3200xf32, #tpu.memory_space<hbm>>) dst(%arg9 : memref<3200xf32, #tpu.memory_space<vmem>>)
      tpu.yield
    }) : () -> ()
    "tpu.region"() ({
      %run_scoped3A = tpu.sem_alloc : memref<!tpu.dma_semaphore, #tpu.memory_space<semaphore_mem>>
      %dma_start3A = tpu.memref_slice %arg3[%mul3A_2] : memref<102400xf32, #tpu.memory_space<hbm>> -> memref<3200xf32, #tpu.memory_space<hbm>>
      %dma_start3A_8 = tpu.memref_slice %arg3[%mul3A_2] : memref<102400xf32, #tpu.memory_space<hbm>> -> memref<3200xf32, #tpu.memory_space<hbm>>
      tpu.enqueue_dma source(%dma_start3A_8 : memref<3200xf32, #tpu.memory_space<hbm>>) target(%arg10 : memref<3200xf32, #tpu.memory_space<vmem>>) target_semaphore(%run_scoped3A : memref<!tpu.dma_semaphore, #tpu.memory_space<semaphore_mem>>)
      %dma_wait3A = tpu.memref_slice %arg3[%mul3A_2] : memref<102400xf32, #tpu.memory_space<hbm>> -> memref<3200xf32, #tpu.memory_space<hbm>>
      %dma_wait3A_9 = tpu.memref_slice %arg3[%mul3A_2] : memref<102400xf32, #tpu.memory_space<hbm>> -> memref<3200xf32, #tpu.memory_space<hbm>>
      tpu.wait_dma2 semaphore(%run_scoped3A : memref<!tpu.dma_semaphore, #tpu.memory_space<semaphore_mem>>) src(%dma_wait3A_9 : memref<3200xf32, #tpu.memory_space<hbm>>) dst(%arg10 : memref<3200xf32, #tpu.memory_space<vmem>>)
      tpu.yield
    }) : () -> ()
    "tpu.region"() ({
      %run_scoped3A = tpu.sem_alloc : memref<!tpu.dma_semaphore, #tpu.memory_space<semaphore_mem>>
      %dma_start3A = tpu.memref_slice %arg4[%mul3A_2] : memref<102400xf32, #tpu.memory_space<hbm>> -> memref<3200xf32, #tpu.memory_space<hbm>>
      %dma_start3A_8 = tpu.memref_slice %arg4[%mul3A_2] : memref<102400xf32, #tpu.memory_space<hbm>> -> memref<3200xf32, #tpu.memory_space<hbm>>
      tpu.enqueue_dma source(%dma_start3A_8 : memref<3200xf32, #tpu.memory_space<hbm>>) target(%arg11 : memref<3200xf32, #tpu.memory_space<vmem>>) target_semaphore(%run_scoped3A : memref<!tpu.dma_semaphore, #tpu.memory_space<semaphore_mem>>)
      %dma_wait3A = tpu.memref_slice %arg4[%mul3A_2] : memref<102400xf32, #tpu.memory_space<hbm>> -> memref<3200xf32, #tpu.memory_space<hbm>>
      %dma_wait3A_9 = tpu.memref_slice %arg4[%mul3A_2] : memref<102400xf32, #tpu.memory_space<hbm>> -> memref<3200xf32, #tpu.memory_space<hbm>>
      tpu.wait_dma2 semaphore(%run_scoped3A : memref<!tpu.dma_semaphore, #tpu.memory_space<semaphore_mem>>) src(%dma_wait3A_9 : memref<3200xf32, #tpu.memory_space<hbm>>) dst(%arg11 : memref<3200xf32, #tpu.memory_space<vmem>>)
      tpu.yield
    }) : () -> ()
    "tpu.region"() ({
      %run_scoped3A = tpu.sem_alloc : memref<!tpu.dma_semaphore, #tpu.memory_space<semaphore_mem>>
      tpu.enqueue_dma source(%arg5 : memref<20x16xf32, #tpu.memory_space<hbm>>) target(%arg12 : memref<20x16xf32, #tpu.memory_space<vmem>>) target_semaphore(%run_scoped3A : memref<!tpu.dma_semaphore, #tpu.memory_space<semaphore_mem>>)
      tpu.wait_dma2 semaphore(%run_scoped3A : memref<!tpu.dma_semaphore, #tpu.memory_space<semaphore_mem>>) src(%arg5 : memref<20x16xf32, #tpu.memory_space<hbm>>) dst(%arg12 : memref<20x16xf32, #tpu.memory_space<vmem>>)
      tpu.yield
    }) : () -> ()
    %scan3A = arith.constant 0 : i32
    %scan3A_3 = arith.constant 0 : i32
    %scan3A_4 = arith.constant 25 : i32
    %scan3A_5 = arith.addi %scan3A_3, %scan3A_4 : i32
    %scan3A_6 = arith.constant 1 : i32
    scf.for %scan3A_8 = %scan3A_3 to %scan3A_5 step %scan3A_6  : i32 {
      %get3A = arith.constant 0 : i32
      %get3A_9 = arith.index_cast %get3A : i32 to index
      %get3A_10 = arith.constant 0 : index
      %get3A_11 = tpu.vector_load %arg12[%get3A_9, %get3A_10] {strides = array<i32>} : memref<20x16xf32, #tpu.memory_space<vmem>>, vector<1x16xf32>,
      %get3A_12 = vector.shape_cast %get3A_11 : vector<1x16xf32> to vector<16xf32>
      %get3A_13 = arith.constant 1 : i32
      %get3A_14 = arith.index_cast %get3A_13 : i32 to index
      %get3A_15 = arith.constant 0 : index
      %get3A_16 = tpu.vector_load %arg12[%get3A_14, %get3A_15] {strides = array<i32>} : memref<20x16xf32, #tpu.memory_space<vmem>>, vector<1x16xf32>,
      %get3A_17 = vector.shape_cast %get3A_16 : vector<1x16xf32> to vector<16xf32>
      %get3A_18 = arith.constant 2 : i32
      %get3A_19 = arith.index_cast %get3A_18 : i32 to index
      %get3A_20 = arith.constant 0 : index
      %get3A_21 = tpu.vector_load %arg12[%get3A_19, %get3A_20] {strides = array<i32>} : memref<20x16xf32, #tpu.memory_space<vmem>>, vector<1x16xf32>,
      %get3A_22 = vector.shape_cast %get3A_21 : vector<1x16xf32> to vector<16xf32>
      %get3A_23 = arith.constant 3 : i32
      %get3A_24 = arith.index_cast %get3A_23 : i32 to index
      %get3A_25 = arith.constant 0 : index
      %get3A_26 = tpu.vector_load %arg12[%get3A_24, %get3A_25] {strides = array<i32>} : memref<20x16xf32, #tpu.memory_space<vmem>>, vector<1x16xf32>,
      %get3A_27 = vector.shape_cast %get3A_26 : vector<1x16xf32> to vector<16xf32>
      %get3A_28 = arith.constant 4 : i32
      %get3A_29 = arith.index_cast %get3A_28 : i32 to index
      %get3A_30 = arith.constant 0 : index
      %get3A_31 = tpu.vector_load %arg12[%get3A_29, %get3A_30] {strides = array<i32>} : memref<20x16xf32, #tpu.memory_space<vmem>>, vector<1x16xf32>,
      %get3A_32 = vector.shape_cast %get3A_31 : vector<1x16xf32> to vector<16xf32>
      %get3A_33 = arith.constant 5 : i32
      %get3A_34 = arith.index_cast %get3A_33 : i32 to index
      %get3A_35 = arith.constant 0 : index
      %get3A_36 = tpu.vector_load %arg12[%get3A_34, %get3A_35] {strides = array<i32>} : memref<20x16xf32, #tpu.memory_space<vmem>>, vector<1x16xf32>,
      %get3A_37 = vector.shape_cast %get3A_36 : vector<1x16xf32> to vector<16xf32>
      %get3A_38 = arith.constant 6 : i32
      %get3A_39 = arith.index_cast %get3A_38 : i32 to index
      %get3A_40 = arith.constant 0 : index
      %get3A_41 = tpu.vector_load %arg12[%get3A_39, %get3A_40] {strides = array<i32>} : memref<20x16xf32, #tpu.memory_space<vmem>>, vector<1x16xf32>,
      %get3A_42 = vector.shape_cast %get3A_41 : vector<1x16xf32> to vector<16xf32>
      %get3A_43 = arith.constant 7 : i32
      %get3A_44 = arith.index_cast %get3A_43 : i32 to index
      %get3A_45 = arith.constant 0 : index
      %get3A_46 = tpu.vector_load %arg12[%get3A_44, %get3A_45] {strides = array<i32>} : memref<20x16xf32, #tpu.memory_space<vmem>>, vector<1x16xf32>,
      %get3A_47 = vector.shape_cast %get3A_46 : vector<1x16xf32> to vector<16xf32>
      %get3A_48 = arith.constant 8 : i32
      %get3A_49 = arith.index_cast %get3A_48 : i32 to index
      %get3A_50 = arith.constant 0 : index
      %get3A_51 = tpu.vector_load %arg12[%get3A_49, %get3A_50] {strides = array<i32>} : memref<20x16xf32, #tpu.memory_space<vmem>>, vector<1x16xf32>,
      %get3A_52 = vector.shape_cast %get3A_51 : vector<1x16xf32> to vector<16xf32>
      %get3A_53 = arith.constant 9 : i32
      %get3A_54 = arith.index_cast %get3A_53 : i32 to index
      %get3A_55 = arith.constant 0 : index
      %get3A_56 = tpu.vector_load %arg12[%get3A_54, %get3A_55] {strides = array<i32>} : memref<20x16xf32, #tpu.memory_space<vmem>>, vector<1x16xf32>,
      %get3A_57 = vector.shape_cast %get3A_56 : vector<1x16xf32> to vector<16xf32>
      %get3A_58 = arith.constant 10 : i32
      %get3A_59 = arith.index_cast %get3A_58 : i32 to index
      %get3A_60 = arith.constant 0 : index
      %get3A_61 = tpu.vector_load %arg12[%get3A_59, %get3A_60] {strides = array<i32>} : memref<20x16xf32, #tpu.memory_space<vmem>>, vector<1x16xf32>,
      %get3A_62 = vector.shape_cast %get3A_61 : vector<1x16xf32> to vector<16xf32>
      %get3A_63 = arith.constant 11 : i32
      %get3A_64 = arith.index_cast %get3A_63 : i32 to index
      %get3A_65 = arith.constant 0 : index
      %get3A_66 = tpu.vector_load %arg12[%get3A_64, %get3A_65] {strides = array<i32>} : memref<20x16xf32, #tpu.memory_space<vmem>>, vector<1x16xf32>,
      %get3A_67 = vector.shape_cast %get3A_66 : vector<1x16xf32> to vector<16xf32>
      %get3A_68 = arith.constant 12 : i32
      %get3A_69 = arith.index_cast %get3A_68 : i32 to index
      %get3A_70 = arith.constant 0 : index
      %get3A_71 = tpu.vector_load %arg12[%get3A_69, %get3A_70] {strides = array<i32>} : memref<20x16xf32, #tpu.memory_space<vmem>>, vector<1x16xf32>,
      %get3A_72 = vector.shape_cast %get3A_71 : vector<1x16xf32> to vector<16xf32>
      %get3A_73 = arith.constant 13 : i32
      %get3A_74 = arith.index_cast %get3A_73 : i32 to index
      %get3A_75 = arith.constant 0 : index
      %get3A_76 = tpu.vector_load %arg12[%get3A_74, %get3A_75] {strides = array<i32>} : memref<20x16xf32, #tpu.memory_space<vmem>>, vector<1x16xf32>,
      %get3A_77 = vector.shape_cast %get3A_76 : vector<1x16xf32> to vector<16xf32>
      %get3A_78 = arith.constant 14 : i32
      %get3A_79 = arith.index_cast %get3A_78 : i32 to index
      %get3A_80 = arith.constant 0 : index
      %get3A_81 = tpu.vector_load %arg12[%get3A_79, %get3A_80] {strides = array<i32>} : memref<20x16xf32, #tpu.memory_space<vmem>>, vector<1x16xf32>,
      %get3A_82 = vector.shape_cast %get3A_81 : vector<1x16xf32> to vector<16xf32>
      %get3A_83 = arith.constant 15 : i32
      %get3A_84 = arith.index_cast %get3A_83 : i32 to index
      %get3A_85 = arith.constant 0 : index
      %get3A_86 = tpu.vector_load %arg12[%get3A_84, %get3A_85] {strides = array<i32>} : memref<20x16xf32, #tpu.memory_space<vmem>>, vector<1x16xf32>,
      %get3A_87 = vector.shape_cast %get3A_86 : vector<1x16xf32> to vector<16xf32>
      %get3A_88 = arith.constant 16 : i32
      %get3A_89 = arith.index_cast %get3A_88 : i32 to index
      %get3A_90 = arith.constant 0 : index
      %get3A_91 = tpu.vector_load %arg12[%get3A_89, %get3A_90] {strides = array<i32>} : memref<20x16xf32, #tpu.memory_space<vmem>>, vector<1x16xf32>,
      %get3A_92 = vector.shape_cast %get3A_91 : vector<1x16xf32> to vector<16xf32>
      %get3A_93 = arith.constant 17 : i32
      %get3A_94 = arith.index_cast %get3A_93 : i32 to index
      %get3A_95 = arith.constant 0 : index
      %get3A_96 = tpu.vector_load %arg12[%get3A_94, %get3A_95] {strides = array<i32>} : memref<20x16xf32, #tpu.memory_space<vmem>>, vector<1x16xf32>,
      %get3A_97 = vector.shape_cast %get3A_96 : vector<1x16xf32> to vector<16xf32>
      %get3A_98 = arith.constant 18 : i32
      %get3A_99 = arith.index_cast %get3A_98 : i32 to index
      %get3A_100 = arith.constant 0 : index
      %get3A_101 = tpu.vector_load %arg12[%get3A_99, %get3A_100] {strides = array<i32>} : memref<20x16xf32, #tpu.memory_space<vmem>>, vector<1x16xf32>,
      %get3A_102 = vector.shape_cast %get3A_101 : vector<1x16xf32> to vector<16xf32>
      %get3A_103 = arith.constant 19 : i32
      %get3A_104 = arith.index_cast %get3A_103 : i32 to index
      %get3A_105 = arith.constant 0 : index
      %get3A_106 = tpu.vector_load %arg12[%get3A_104, %get3A_105] {strides = array<i32>} : memref<20x16xf32, #tpu.memory_space<vmem>>, vector<1x16xf32>,
      %get3A_107 = vector.shape_cast %get3A_106 : vector<1x16xf32> to vector<16xf32>
      %mul3A_108 = arith.constant 8 : i32
      %mul3A_109 = arith.muli %scan3A_8, %mul3A_108 : i32
      %add3A_110 = arith.constant 0 : i32
      %add3A_111 = arith.addi %mul3A_109, %add3A_110 : i32
      %mul3A_112 = arith.constant 16 : i32
      %mul3A_113 = arith.muli %add3A_111, %mul3A_112 : i32
      %get3A_114 = arith.index_cast %mul3A_113 : i32 to index
      %get3A_115 = tpu.vector_load %arg9[%get3A_114] {strides = array<i32>} : memref<3200xf32, #tpu.memory_space<vmem>>, vector<16xf32>,
      %get3A_116 = vector.shape_cast %get3A_115 : vector<16xf32> to vector<16xf32>
      %get3A_117 = arith.index_cast %mul3A_113 : i32 to index
      %get3A_118 = tpu.vector_load %arg10[%get3A_117] {strides = array<i32>} : memref<3200xf32, #tpu.memory_space<vmem>>, vector<16xf32>,
      %get3A_119 = vector.shape_cast %get3A_118 : vector<16xf32> to vector<16xf32>
      %get3A_120 = arith.index_cast %mul3A_113 : i32 to index
      %get3A_121 = tpu.vector_load %arg11[%get3A_120] {strides = array<i32>} : memref<3200xf32, #tpu.memory_space<vmem>>, vector<16xf32>,
      %get3A_122 = vector.shape_cast %get3A_121 : vector<16xf32> to vector<16xf32>
      %broadcast_in_dim3A = arith.constant 1 : i32
      %broadcast_in_dim3A_123 = vector.broadcast %broadcast_in_dim3A : i32 to vector<16xi32>
      %broadcast_in_dim3A_124 = arith.constant 0 : i32
      %broadcast_in_dim3A_125 = vector.broadcast %broadcast_in_dim3A_124 : i32 to vector<16xi32>
      %add3A_126 = arith.constant 5.000000e-01 : f32
      %add3A_127 = vector.broadcast %add3A_126 : f32 to vector<16xf32>
      %add3A_128 = arith.addf %get3A_116, %add3A_127 : vector<16xf32>
      %add3A_129 = arith.constant 5.000000e-01 : f32
      %add3A_130 = vector.broadcast %add3A_129 : f32 to vector<16xf32>
      %add3A_131 = arith.addf %get3A_119, %add3A_130 : vector<16xf32>
      %convert_element_type3A = arith.fptosi %add3A_128 : vector<16xf32> to vector<16xi32>
      %convert_element_type3A_132 = arith.fptosi %add3A_131 : vector<16xf32> to vector<16xi32>
      %convert_element_type3A_133 = arith.sitofp %convert_element_type3A : vector<16xi32> to vector<16xf32>
      %eq3A = arith.cmpf oeq, %convert_element_type3A_133, %add3A_128 : vector<16xf32>
      %and3A = arith.constant 1 : i32
      %and3A_134 = vector.broadcast %and3A : i32 to vector<16xi32>
      %and3A_135 = arith.andi %convert_element_type3A, %and3A_134 : vector<16xi32>
      %eq3A_136 = arith.constant 1 : i32
      %eq3A_137 = vector.broadcast %eq3A_136 : i32 to vector<16xi32>
      %eq3A_138 = arith.cmpi eq, %and3A_135, %eq3A_137 : vector<16xi32>
      %and3A_139 = arith.andi %eq3A, %eq3A_138 : vector<16xi1>
      %convert_element_type3A_140 = arith.sitofp %convert_element_type3A_132 : vector<16xi32> to vector<16xf32>
      %eq3A_141 = arith.cmpf oeq, %convert_element_type3A_140, %add3A_131 : vector<16xf32>
      %and3A_142 = arith.constant 1 : i32
      %and3A_143 = vector.broadcast %and3A_142 : i32 to vector<16xi32>
      %and3A_144 = arith.andi %convert_element_type3A_132, %and3A_143 : vector<16xi32>
      %eq3A_145 = arith.constant 1 : i32
      %eq3A_146 = vector.broadcast %eq3A_145 : i32 to vector<16xi32>
      %eq3A_147 = arith.cmpi eq, %and3A_144, %eq3A_146 : vector<16xi32>
      %and3A_148 = arith.andi %eq3A_141, %eq3A_147 : vector<16xi1>
      %select_n3A = arith.select %and3A_139, %broadcast_in_dim3A_123, %broadcast_in_dim3A_125 : vector<16xi1>, vector<16xi32>
      %sub3A = arith.subi %convert_element_type3A, %select_n3A : vector<16xi32>
      %select_n3A_149 = arith.select %and3A_148, %broadcast_in_dim3A_123, %broadcast_in_dim3A_125 : vector<16xi1>, vector<16xi32>
      %sub3A_150 = arith.subi %convert_element_type3A_132, %select_n3A_149 : vector<16xi32>
      %convert_element_type3A_151 = arith.sitofp %sub3A : vector<16xi32> to vector<16xf32>
      %max3A = arith.constant 0.000000e+00 : f32
      %max3A_152 = vector.broadcast %max3A : f32 to vector<16xf32>
      %max3A_153 = arith.maximumf %convert_element_type3A_151, %max3A_152 : vector<16xf32>
      %min3A = arith.minimumf %max3A_153, %get3A_92 : vector<16xf32>
      %convert_element_type3A_154 = arith.sitofp %sub3A_150 : vector<16xi32> to vector<16xf32>
      %max3A_155 = arith.constant 0.000000e+00 : f32
      %max3A_156 = vector.broadcast %max3A_155 : f32 to vector<16xf32>
      %max3A_157 = arith.maximumf %convert_element_type3A_154, %max3A_156 : vector<16xf32>
      %min3A_158 = arith.minimumf %max3A_157, %get3A_97 : vector<16xf32>
      %sub3A_159 = arith.subf %min3A, %get3A_12 : vector<16xf32>
      %mul3A_160 = arith.mulf %sub3A_159, %get3A_22 : vector<16xf32>
      %sub3A_161 = arith.subf %min3A_158, %get3A_17 : vector<16xf32>
      %mul3A_162 = arith.mulf %sub3A_161, %get3A_27 : vector<16xf32>
      %mul3A_163 = arith.mulf %mul3A_160, %mul3A_160 : vector<16xf32>
      %mul3A_164 = arith.mulf %mul3A_162, %mul3A_162 : vector<16xf32>
      %add3A_165 = arith.addf %mul3A_163, %mul3A_164 : vector<16xf32>
      %add3A_166 = arith.constant 1.000000e+00 : f32
      %add3A_167 = vector.broadcast %add3A_166 : f32 to vector<16xf32>
      %add3A_168 = arith.addf %add3A_165, %add3A_167 : vector<16xf32>
      %mul3A_169 = arith.constant 5.000000e-01 : f32
      %mul3A_170 = vector.broadcast %mul3A_169 : f32 to vector<16xf32>
      %mul3A_171 = arith.mulf %mul3A_170, %add3A_168 : vector<16xf32>
      %div3A = arith.constant 1.000000e+00 : f32
      %div3A_172 = vector.broadcast %div3A : f32 to vector<16xf32>
      %div3A_173 = arith.divf %div3A_172, %add3A_168 : vector<16xf32>
      %mul3A_174 = arith.mulf %mul3A_171, %div3A_173 : vector<16xf32>
      %mul3A_175 = arith.mulf %mul3A_174, %div3A_173 : vector<16xf32>
      %sub3A_176 = arith.constant 1.500000e+00 : f32
      %sub3A_177 = vector.broadcast %sub3A_176 : f32 to vector<16xf32>
      %sub3A_178 = arith.subf %sub3A_177, %mul3A_175 : vector<16xf32>
      %mul3A_179 = arith.mulf %div3A_173, %sub3A_178 : vector<16xf32>
      %mul3A_180 = arith.mulf %mul3A_171, %mul3A_179 : vector<16xf32>
      %mul3A_181 = arith.mulf %mul3A_180, %mul3A_179 : vector<16xf32>
      %sub3A_182 = arith.constant 1.500000e+00 : f32
      %sub3A_183 = vector.broadcast %sub3A_182 : f32 to vector<16xf32>
      %sub3A_184 = arith.subf %sub3A_183, %mul3A_181 : vector<16xf32>
      %mul3A_185 = arith.mulf %mul3A_179, %sub3A_184 : vector<16xf32>
      %mul3A_186 = arith.mulf %mul3A_171, %mul3A_185 : vector<16xf32>
      %mul3A_187 = arith.mulf %mul3A_186, %mul3A_185 : vector<16xf32>
      %sub3A_188 = arith.constant 1.500000e+00 : f32
      %sub3A_189 = vector.broadcast %sub3A_188 : f32 to vector<16xf32>
      %sub3A_190 = arith.subf %sub3A_189, %mul3A_187 : vector<16xf32>
      %mul3A_191 = arith.mulf %mul3A_185, %sub3A_190 : vector<16xf32>
      %mul3A_192 = arith.mulf %mul3A_171, %mul3A_191 : vector<16xf32>
      %mul3A_193 = arith.mulf %mul3A_192, %mul3A_191 : vector<16xf32>
      %sub3A_194 = arith.constant 1.500000e+00 : f32
      %sub3A_195 = vector.broadcast %sub3A_194 : f32 to vector<16xf32>
      %sub3A_196 = arith.subf %sub3A_195, %mul3A_193 : vector<16xf32>
      %mul3A_197 = arith.mulf %mul3A_191, %sub3A_196 : vector<16xf32>
      %mul3A_198 = arith.mulf %mul3A_160, %mul3A_197 : vector<16xf32>
      %mul3A_199 = arith.constant 6.553700e+04 : f32
      %mul3A_200 = vector.broadcast %mul3A_199 : f32 to vector<16xf32>
      %mul3A_201 = arith.mulf %mul3A_198, %mul3A_200 : vector<16xf32>
      %sub3A_202 = arith.subf %mul3A_201, %mul3A_198 : vector<16xf32>
      %sub3A_203 = arith.subf %mul3A_201, %sub3A_202 : vector<16xf32>
      %mul3A_204 = arith.mulf %mul3A_162, %mul3A_197 : vector<16xf32>
      %mul3A_205 = arith.constant 6.553700e+04 : f32
      %mul3A_206 = vector.broadcast %mul3A_205 : f32 to vector<16xf32>
      %mul3A_207 = arith.mulf %mul3A_204, %mul3A_206 : vector<16xf32>
      %sub3A_208 = arith.subf %mul3A_207, %mul3A_204 : vector<16xf32>
      %sub3A_209 = arith.subf %mul3A_207, %sub3A_208 : vector<16xf32>
      %mul3A_210 = arith.constant 6.553700e+04 : f32
      %mul3A_211 = vector.broadcast %mul3A_210 : f32 to vector<16xf32>
      %mul3A_212 = arith.mulf %mul3A_197, %mul3A_211 : vector<16xf32>
      %sub3A_213 = arith.subf %mul3A_212, %mul3A_197 : vector<16xf32>
      %sub3A_214 = arith.subf %mul3A_212, %sub3A_213 : vector<16xf32>
      %mul3A_215 = arith.mulf %get3A_32, %sub3A_203 : vector<16xf32>
      %mul3A_216 = arith.mulf %get3A_37, %sub3A_209 : vector<16xf32>
      %add3A_217 = arith.addf %mul3A_215, %mul3A_216 : vector<16xf32>
      %mul3A_218 = arith.mulf %get3A_42, %sub3A_214 : vector<16xf32>
      %add3A_219 = arith.addf %add3A_217, %mul3A_218 : vector<16xf32>
      %mul3A_220 = arith.mulf %add3A_219, %get3A_122 : vector<16xf32>
      %add3A_221 = arith.addf %get3A_77, %mul3A_220 : vector<16xf32>
      %mul3A_222 = arith.mulf %get3A_47, %sub3A_203 : vector<16xf32>
      %mul3A_223 = arith.mulf %get3A_52, %sub3A_209 : vector<16xf32>
      %add3A_224 = arith.addf %mul3A_222, %mul3A_223 : vector<16xf32>
      %mul3A_225 = arith.mulf %get3A_57, %sub3A_214 : vector<16xf32>
      %add3A_226 = arith.addf %add3A_224, %mul3A_225 : vector<16xf32>
      %mul3A_227 = arith.mulf %add3A_226, %get3A_122 : vector<16xf32>
      %add3A_228 = arith.addf %get3A_82, %mul3A_227 : vector<16xf32>
      %mul3A_229 = arith.mulf %get3A_62, %sub3A_203 : vector<16xf32>
      %mul3A_230 = arith.mulf %get3A_67, %sub3A_209 : vector<16xf32>
      %add3A_231 = arith.addf %mul3A_229, %mul3A_230 : vector<16xf32>
      %mul3A_232 = arith.mulf %get3A_72, %sub3A_214 : vector<16xf32>
      %add3A_233 = arith.addf %add3A_231, %mul3A_232 : vector<16xf32>
      %mul3A_234 = arith.mulf %add3A_233, %get3A_122 : vector<16xf32>
      %add3A_235 = arith.addf %get3A_87, %mul3A_234 : vector<16xf32>
      %ge3A = arith.constant -5.120000e+01 : f32
      %ge3A_236 = vector.broadcast %ge3A : f32 to vector<16xf32>
      %ge3A_237 = arith.cmpf oge, %add3A_221, %ge3A_236 : vector<16xf32>
      %lt3A = arith.constant 5.120000e+01 : f32
      %lt3A_238 = vector.broadcast %lt3A : f32 to vector<16xf32>
      %lt3A_239 = arith.cmpf olt, %add3A_221, %lt3A_238 : vector<16xf32>
      %and3A_240 = arith.andi %ge3A_237, %lt3A_239 : vector<16xi1>
      %ge3A_241 = arith.constant -5.120000e+01 : f32
      %ge3A_242 = vector.broadcast %ge3A_241 : f32 to vector<16xf32>
      %ge3A_243 = arith.cmpf oge, %add3A_228, %ge3A_242 : vector<16xf32>
      %and3A_244 = arith.andi %and3A_240, %ge3A_243 : vector<16xi1>
      %lt3A_245 = arith.constant 5.120000e+01 : f32
      %lt3A_246 = vector.broadcast %lt3A_245 : f32 to vector<16xf32>
      %lt3A_247 = arith.cmpf olt, %add3A_228, %lt3A_246 : vector<16xf32>
      %and3A_248 = arith.andi %and3A_244, %lt3A_247 : vector<16xi1>
      %ge3A_249 = arith.constant -5.000000e+00 : f32
      %ge3A_250 = vector.broadcast %ge3A_249 : f32 to vector<16xf32>
      %ge3A_251 = arith.cmpf oge, %add3A_235, %ge3A_250 : vector<16xf32>
      %and3A_252 = arith.andi %and3A_248, %ge3A_251 : vector<16xi1>
      %lt3A_253 = arith.constant 3.000000e+00 : f32
      %lt3A_254 = vector.broadcast %lt3A_253 : f32 to vector<16xf32>
      %lt3A_255 = arith.cmpf olt, %add3A_235, %lt3A_254 : vector<16xf32>
      %and3A_256 = arith.andi %and3A_252, %lt3A_255 : vector<16xi1>
      %sub3A_257 = arith.constant -5.120000e+01 : f32
      %sub3A_258 = vector.broadcast %sub3A_257 : f32 to vector<16xf32>
      %sub3A_259 = arith.subf %add3A_221, %sub3A_258 : vector<16xf32>
      %mul3A_260 = arith.constant 1.95312488 : f32
      %mul3A_261 = vector.broadcast %mul3A_260 : f32 to vector<16xf32>
      %mul3A_262 = arith.mulf %sub3A_259, %mul3A_261 : vector<16xf32>
      %max3A_263 = arith.constant 0.000000e+00 : f32
      %max3A_264 = vector.broadcast %max3A_263 : f32 to vector<16xf32>
      %max3A_265 = arith.maximumf %mul3A_262, %max3A_264 : vector<16xf32>
      %min3A_266 = arith.minimumf %max3A_265, %get3A_102 : vector<16xf32>
      %sub3A_267 = arith.constant -5.120000e+01 : f32
      %sub3A_268 = vector.broadcast %sub3A_267 : f32 to vector<16xf32>
      %sub3A_269 = arith.subf %add3A_228, %sub3A_268 : vector<16xf32>
      %mul3A_270 = arith.constant 1.95312488 : f32
      %mul3A_271 = vector.broadcast %mul3A_270 : f32 to vector<16xf32>
      %mul3A_272 = arith.mulf %sub3A_269, %mul3A_271 : vector<16xf32>
      %max3A_273 = arith.constant 0.000000e+00 : f32
      %max3A_274 = vector.broadcast %max3A_273 : f32 to vector<16xf32>
      %max3A_275 = arith.maximumf %mul3A_272, %max3A_274 : vector<16xf32>
      %min3A_276 = arith.minimumf %max3A_275, %get3A_107 : vector<16xf32>
      %convert_element_type3A_277 = arith.fptosi %min3A_266 : vector<16xf32> to vector<16xi32>
      %convert_element_type3A_278 = arith.fptosi %min3A_276 : vector<16xf32> to vector<16xi32>
      %broadcast_in_dim3A_279 = arith.constant -1 : i32
      %broadcast_in_dim3A_280 = vector.broadcast %broadcast_in_dim3A_279 : i32 to vector<16xi32>
      %select_n3A_281 = arith.select %and3A_256, %broadcast_in_dim3A_123, %broadcast_in_dim3A_125 : vector<16xi1>, vector<16xi32>
      %swap3A = arith.index_cast %mul3A_113 : i32 to index
      %swap3A_282 = tpu.vector_load %arg13[%swap3A] {strides = array<i32>} : memref<3200xi32, #tpu.memory_space<vmem>>, vector<16xi32>,
      %swap3A_283 = vector.shape_cast %swap3A_282 : vector<16xi32> to vector<16xi32>
      %swap3A_284 = vector.shape_cast %select_n3A_281 : vector<16xi32> to vector<16xi32>
      tpu.vector_store %arg13[%swap3A], %swap3A_284 {strides = array<i32>} : memref<3200xi32, #tpu.memory_space<vmem>>, vector<16xi32>,
      %select_n3A_285 = arith.select %and3A_256, %convert_element_type3A_278, %broadcast_in_dim3A_280 : vector<16xi1>, vector<16xi32>
      %swap3A_286 = arith.index_cast %mul3A_113 : i32 to index
      %swap3A_287 = tpu.vector_load %arg14[%swap3A_286] {strides = array<i32>} : memref<3200xi32, #tpu.memory_space<vmem>>, vector<16xi32>,
      %swap3A_288 = vector.shape_cast %swap3A_287 : vector<16xi32> to vector<16xi32>
      %swap3A_289 = vector.shape_cast %select_n3A_285 : vector<16xi32> to vector<16xi32>
      tpu.vector_store %arg14[%swap3A_286], %swap3A_289 {strides = array<i32>} : memref<3200xi32, #tpu.memory_space<vmem>>, vector<16xi32>,
      %select_n3A_290 = arith.select %and3A_256, %convert_element_type3A_277, %broadcast_in_dim3A_280 : vector<16xi1>, vector<16xi32>
      %swap3A_291 = arith.index_cast %mul3A_113 : i32 to index
      %swap3A_292 = tpu.vector_load %arg15[%swap3A_291] {strides = array<i32>} : memref<3200xi32, #tpu.memory_space<vmem>>, vector<16xi32>,
      %swap3A_293 = vector.shape_cast %swap3A_292 : vector<16xi32> to vector<16xi32>
      %swap3A_294 = vector.shape_cast %select_n3A_290 : vector<16xi32> to vector<16xi32>
      tpu.vector_store %arg15[%swap3A_291], %swap3A_294 {strides = array<i32>} : memref<3200xi32, #tpu.memory_space<vmem>>, vector<16xi32>,
      %mul3A_295 = arith.constant 8 : i32
      %mul3A_296 = arith.muli %scan3A_8, %mul3A_295 : i32
      %add3A_297 = arith.constant 1 : i32
      %add3A_298 = arith.addi %mul3A_296, %add3A_297 : i32
      %mul3A_299 = arith.constant 16 : i32
      %mul3A_300 = arith.muli %add3A_298, %mul3A_299 : i32
      %get3A_301 = arith.index_cast %mul3A_300 : i32 to index
      %get3A_302 = tpu.vector_load %arg9[%get3A_301] {strides = array<i32>} : memref<3200xf32, #tpu.memory_space<vmem>>, vector<16xf32>,
      %get3A_303 = vector.shape_cast %get3A_302 : vector<16xf32> to vector<16xf32>
      %get3A_304 = arith.index_cast %mul3A_300 : i32 to index
      %get3A_305 = tpu.vector_load %arg10[%get3A_304] {strides = array<i32>} : memref<3200xf32, #tpu.memory_space<vmem>>, vector<16xf32>,
      %get3A_306 = vector.shape_cast %get3A_305 : vector<16xf32> to vector<16xf32>
      %get3A_307 = arith.index_cast %mul3A_300 : i32 to index
      %get3A_308 = tpu.vector_load %arg11[%get3A_307] {strides = array<i32>} : memref<3200xf32, #tpu.memory_space<vmem>>, vector<16xf32>,
      %get3A_309 = vector.shape_cast %get3A_308 : vector<16xf32> to vector<16xf32>
      %broadcast_in_dim3A_310 = arith.constant 1 : i32
      %broadcast_in_dim3A_311 = vector.broadcast %broadcast_in_dim3A_310 : i32 to vector<16xi32>
      %broadcast_in_dim3A_312 = arith.constant 0 : i32
      %broadcast_in_dim3A_313 = vector.broadcast %broadcast_in_dim3A_312 : i32 to vector<16xi32>
      %add3A_314 = arith.constant 5.000000e-01 : f32
      %add3A_315 = vector.broadcast %add3A_314 : f32 to vector<16xf32>
      %add3A_316 = arith.addf %get3A_303, %add3A_315 : vector<16xf32>
      %add3A_317 = arith.constant 5.000000e-01 : f32
      %add3A_318 = vector.broadcast %add3A_317 : f32 to vector<16xf32>
      %add3A_319 = arith.addf %get3A_306, %add3A_318 : vector<16xf32>
      %convert_element_type3A_320 = arith.fptosi %add3A_316 : vector<16xf32> to vector<16xi32>
      %convert_element_type3A_321 = arith.fptosi %add3A_319 : vector<16xf32> to vector<16xi32>
      %convert_element_type3A_322 = arith.sitofp %convert_element_type3A_320 : vector<16xi32> to vector<16xf32>
      %eq3A_323 = arith.cmpf oeq, %convert_element_type3A_322, %add3A_316 : vector<16xf32>
      %and3A_324 = arith.constant 1 : i32
      %and3A_325 = vector.broadcast %and3A_324 : i32 to vector<16xi32>
      %and3A_326 = arith.andi %convert_element_type3A_320, %and3A_325 : vector<16xi32>
      %eq3A_327 = arith.constant 1 : i32
      %eq3A_328 = vector.broadcast %eq3A_327 : i32 to vector<16xi32>
      %eq3A_329 = arith.cmpi eq, %and3A_326, %eq3A_328 : vector<16xi32>
      %and3A_330 = arith.andi %eq3A_323, %eq3A_329 : vector<16xi1>
      %convert_element_type3A_331 = arith.sitofp %convert_element_type3A_321 : vector<16xi32> to vector<16xf32>
      %eq3A_332 = arith.cmpf oeq, %convert_element_type3A_331, %add3A_319 : vector<16xf32>
      %and3A_333 = arith.constant 1 : i32
      %and3A_334 = vector.broadcast %and3A_333 : i32 to vector<16xi32>
      %and3A_335 = arith.andi %convert_element_type3A_321, %and3A_334 : vector<16xi32>
      %eq3A_336 = arith.constant 1 : i32
      %eq3A_337 = vector.broadcast %eq3A_336 : i32 to vector<16xi32>
      %eq3A_338 = arith.cmpi eq, %and3A_335, %eq3A_337 : vector<16xi32>
      %and3A_339 = arith.andi %eq3A_332, %eq3A_338 : vector<16xi1>
      %select_n3A_340 = arith.select %and3A_330, %broadcast_in_dim3A_311, %broadcast_in_dim3A_313 : vector<16xi1>, vector<16xi32>
      %sub3A_341 = arith.subi %convert_element_type3A_320, %select_n3A_340 : vector<16xi32>
      %select_n3A_342 = arith.select %and3A_339, %broadcast_in_dim3A_311, %broadcast_in_dim3A_313 : vector<16xi1>, vector<16xi32>
      %sub3A_343 = arith.subi %convert_element_type3A_321, %select_n3A_342 : vector<16xi32>
      %convert_element_type3A_344 = arith.sitofp %sub3A_341 : vector<16xi32> to vector<16xf32>
      %max3A_345 = arith.constant 0.000000e+00 : f32
      %max3A_346 = vector.broadcast %max3A_345 : f32 to vector<16xf32>
      %max3A_347 = arith.maximumf %convert_element_type3A_344, %max3A_346 : vector<16xf32>
      %min3A_348 = arith.minimumf %max3A_347, %get3A_92 : vector<16xf32>
      %convert_element_type3A_349 = arith.sitofp %sub3A_343 : vector<16xi32> to vector<16xf32>
      %max3A_350 = arith.constant 0.000000e+00 : f32
      %max3A_351 = vector.broadcast %max3A_350 : f32 to vector<16xf32>
      %max3A_352 = arith.maximumf %convert_element_type3A_349, %max3A_351 : vector<16xf32>
      %min3A_353 = arith.minimumf %max3A_352, %get3A_97 : vector<16xf32>
      %sub3A_354 = arith.subf %min3A_348, %get3A_12 : vector<16xf32>
      %mul3A_355 = arith.mulf %sub3A_354, %get3A_22 : vector<16xf32>
      %sub3A_356 = arith.subf %min3A_353, %get3A_17 : vector<16xf32>
      %mul3A_357 = arith.mulf %sub3A_356, %get3A_27 : vector<16xf32>
      %mul3A_358 = arith.mulf %mul3A_355, %mul3A_355 : vector<16xf32>
      %mul3A_359 = arith.mulf %mul3A_357, %mul3A_357 : vector<16xf32>
      %add3A_360 = arith.addf %mul3A_358, %mul3A_359 : vector<16xf32>
      %add3A_361 = arith.constant 1.000000e+00 : f32
      %add3A_362 = vector.broadcast %add3A_361 : f32 to vector<16xf32>
      %add3A_363 = arith.addf %add3A_360, %add3A_362 : vector<16xf32>
      %mul3A_364 = arith.constant 5.000000e-01 : f32
      %mul3A_365 = vector.broadcast %mul3A_364 : f32 to vector<16xf32>
      %mul3A_366 = arith.mulf %mul3A_365, %add3A_363 : vector<16xf32>
      %div3A_367 = arith.constant 1.000000e+00 : f32
      %div3A_368 = vector.broadcast %div3A_367 : f32 to vector<16xf32>
      %div3A_369 = arith.divf %div3A_368, %add3A_363 : vector<16xf32>
      %mul3A_370 = arith.mulf %mul3A_366, %div3A_369 : vector<16xf32>
      %mul3A_371 = arith.mulf %mul3A_370, %div3A_369 : vector<16xf32>
      %sub3A_372 = arith.constant 1.500000e+00 : f32
      %sub3A_373 = vector.broadcast %sub3A_372 : f32 to vector<16xf32>
      %sub3A_374 = arith.subf %sub3A_373, %mul3A_371 : vector<16xf32>
      %mul3A_375 = arith.mulf %div3A_369, %sub3A_374 : vector<16xf32>
      %mul3A_376 = arith.mulf %mul3A_366, %mul3A_375 : vector<16xf32>
      %mul3A_377 = arith.mulf %mul3A_376, %mul3A_375 : vector<16xf32>
      %sub3A_378 = arith.constant 1.500000e+00 : f32
      %sub3A_379 = vector.broadcast %sub3A_378 : f32 to vector<16xf32>
      %sub3A_380 = arith.subf %sub3A_379, %mul3A_377 : vector<16xf32>
      %mul3A_381 = arith.mulf %mul3A_375, %sub3A_380 : vector<16xf32>
      %mul3A_382 = arith.mulf %mul3A_366, %mul3A_381 : vector<16xf32>
      %mul3A_383 = arith.mulf %mul3A_382, %mul3A_381 : vector<16xf32>
      %sub3A_384 = arith.constant 1.500000e+00 : f32
      %sub3A_385 = vector.broadcast %sub3A_384 : f32 to vector<16xf32>
      %sub3A_386 = arith.subf %sub3A_385, %mul3A_383 : vector<16xf32>
      %mul3A_387 = arith.mulf %mul3A_381, %sub3A_386 : vector<16xf32>
      %mul3A_388 = arith.mulf %mul3A_366, %mul3A_387 : vector<16xf32>
      %mul3A_389 = arith.mulf %mul3A_388, %mul3A_387 : vector<16xf32>
      %sub3A_390 = arith.constant 1.500000e+00 : f32
      %sub3A_391 = vector.broadcast %sub3A_390 : f32 to vector<16xf32>
      %sub3A_392 = arith.subf %sub3A_391, %mul3A_389 : vector<16xf32>
      %mul3A_393 = arith.mulf %mul3A_387, %sub3A_392 : vector<16xf32>
      %mul3A_394 = arith.mulf %mul3A_355, %mul3A_393 : vector<16xf32>
      %mul3A_395 = arith.constant 6.553700e+04 : f32
      %mul3A_396 = vector.broadcast %mul3A_395 : f32 to vector<16xf32>
      %mul3A_397 = arith.mulf %mul3A_394, %mul3A_396 : vector<16xf32>
      %sub3A_398 = arith.subf %mul3A_397, %mul3A_394 : vector<16xf32>
      %sub3A_399 = arith.subf %mul3A_397, %sub3A_398 : vector<16xf32>
      %mul3A_400 = arith.mulf %mul3A_357, %mul3A_393 : vector<16xf32>
      %mul3A_401 = arith.constant 6.553700e+04 : f32
      %mul3A_402 = vector.broadcast %mul3A_401 : f32 to vector<16xf32>
      %mul3A_403 = arith.mulf %mul3A_400, %mul3A_402 : vector<16xf32>
      %sub3A_404 = arith.subf %mul3A_403, %mul3A_400 : vector<16xf32>
      %sub3A_405 = arith.subf %mul3A_403, %sub3A_404 : vector<16xf32>
      %mul3A_406 = arith.constant 6.553700e+04 : f32
      %mul3A_407 = vector.broadcast %mul3A_406 : f32 to vector<16xf32>
      %mul3A_408 = arith.mulf %mul3A_393, %mul3A_407 : vector<16xf32>
      %sub3A_409 = arith.subf %mul3A_408, %mul3A_393 : vector<16xf32>
      %sub3A_410 = arith.subf %mul3A_408, %sub3A_409 : vector<16xf32>
      %mul3A_411 = arith.mulf %get3A_32, %sub3A_399 : vector<16xf32>
      %mul3A_412 = arith.mulf %get3A_37, %sub3A_405 : vector<16xf32>
      %add3A_413 = arith.addf %mul3A_411, %mul3A_412 : vector<16xf32>
      %mul3A_414 = arith.mulf %get3A_42, %sub3A_410 : vector<16xf32>
      %add3A_415 = arith.addf %add3A_413, %mul3A_414 : vector<16xf32>
      %mul3A_416 = arith.mulf %add3A_415, %get3A_309 : vector<16xf32>
      %add3A_417 = arith.addf %get3A_77, %mul3A_416 : vector<16xf32>
      %mul3A_418 = arith.mulf %get3A_47, %sub3A_399 : vector<16xf32>
      %mul3A_419 = arith.mulf %get3A_52, %sub3A_405 : vector<16xf32>
      %add3A_420 = arith.addf %mul3A_418, %mul3A_419 : vector<16xf32>
      %mul3A_421 = arith.mulf %get3A_57, %sub3A_410 : vector<16xf32>
      %add3A_422 = arith.addf %add3A_420, %mul3A_421 : vector<16xf32>
      %mul3A_423 = arith.mulf %add3A_422, %get3A_309 : vector<16xf32>
      %add3A_424 = arith.addf %get3A_82, %mul3A_423 : vector<16xf32>
      %mul3A_425 = arith.mulf %get3A_62, %sub3A_399 : vector<16xf32>
      %mul3A_426 = arith.mulf %get3A_67, %sub3A_405 : vector<16xf32>
      %add3A_427 = arith.addf %mul3A_425, %mul3A_426 : vector<16xf32>
      %mul3A_428 = arith.mulf %get3A_72, %sub3A_410 : vector<16xf32>
      %add3A_429 = arith.addf %add3A_427, %mul3A_428 : vector<16xf32>
      %mul3A_430 = arith.mulf %add3A_429, %get3A_309 : vector<16xf32>
      %add3A_431 = arith.addf %get3A_87, %mul3A_430 : vector<16xf32>
      %ge3A_432 = arith.constant -5.120000e+01 : f32
      %ge3A_433 = vector.broadcast %ge3A_432 : f32 to vector<16xf32>
      %ge3A_434 = arith.cmpf oge, %add3A_417, %ge3A_433 : vector<16xf32>
      %lt3A_435 = arith.constant 5.120000e+01 : f32
      %lt3A_436 = vector.broadcast %lt3A_435 : f32 to vector<16xf32>
      %lt3A_437 = arith.cmpf olt, %add3A_417, %lt3A_436 : vector<16xf32>
      %and3A_438 = arith.andi %ge3A_434, %lt3A_437 : vector<16xi1>
      %ge3A_439 = arith.constant -5.120000e+01 : f32
      %ge3A_440 = vector.broadcast %ge3A_439 : f32 to vector<16xf32>
      %ge3A_441 = arith.cmpf oge, %add3A_424, %ge3A_440 : vector<16xf32>
      %and3A_442 = arith.andi %and3A_438, %ge3A_441 : vector<16xi1>
      %lt3A_443 = arith.constant 5.120000e+01 : f32
      %lt3A_444 = vector.broadcast %lt3A_443 : f32 to vector<16xf32>
      %lt3A_445 = arith.cmpf olt, %add3A_424, %lt3A_444 : vector<16xf32>
      %and3A_446 = arith.andi %and3A_442, %lt3A_445 : vector<16xi1>
      %ge3A_447 = arith.constant -5.000000e+00 : f32
      %ge3A_448 = vector.broadcast %ge3A_447 : f32 to vector<16xf32>
      %ge3A_449 = arith.cmpf oge, %add3A_431, %ge3A_448 : vector<16xf32>
      %and3A_450 = arith.andi %and3A_446, %ge3A_449 : vector<16xi1>
      %lt3A_451 = arith.constant 3.000000e+00 : f32
      %lt3A_452 = vector.broadcast %lt3A_451 : f32 to vector<16xf32>
      %lt3A_453 = arith.cmpf olt, %add3A_431, %lt3A_452 : vector<16xf32>
      %and3A_454 = arith.andi %and3A_450, %lt3A_453 : vector<16xi1>
      %sub3A_455 = arith.constant -5.120000e+01 : f32
      %sub3A_456 = vector.broadcast %sub3A_455 : f32 to vector<16xf32>
      %sub3A_457 = arith.subf %add3A_417, %sub3A_456 : vector<16xf32>
      %mul3A_458 = arith.constant 1.95312488 : f32
      %mul3A_459 = vector.broadcast %mul3A_458 : f32 to vector<16xf32>
      %mul3A_460 = arith.mulf %sub3A_457, %mul3A_459 : vector<16xf32>
      %max3A_461 = arith.constant 0.000000e+00 : f32
      %max3A_462 = vector.broadcast %max3A_461 : f32 to vector<16xf32>
      %max3A_463 = arith.maximumf %mul3A_460, %max3A_462 : vector<16xf32>
      %min3A_464 = arith.minimumf %max3A_463, %get3A_102 : vector<16xf32>
      %sub3A_465 = arith.constant -5.120000e+01 : f32
      %sub3A_466 = vector.broadcast %sub3A_465 : f32 to vector<16xf32>
      %sub3A_467 = arith.subf %add3A_424, %sub3A_466 : vector<16xf32>
      %mul3A_468 = arith.constant 1.95312488 : f32
      %mul3A_469 = vector.broadcast %mul3A_468 : f32 to vector<16xf32>
      %mul3A_470 = arith.mulf %sub3A_467, %mul3A_469 : vector<16xf32>
      %max3A_471 = arith.constant 0.000000e+00 : f32
      %max3A_472 = vector.broadcast %max3A_471 : f32 to vector<16xf32>
      %max3A_473 = arith.maximumf %mul3A_470, %max3A_472 : vector<16xf32>
      %min3A_474 = arith.minimumf %max3A_473, %get3A_107 : vector<16xf32>
      %convert_element_type3A_475 = arith.fptosi %min3A_464 : vector<16xf32> to vector<16xi32>
      %convert_element_type3A_476 = arith.fptosi %min3A_474 : vector<16xf32> to vector<16xi32>
      %broadcast_in_dim3A_477 = arith.constant -1 : i32
      %broadcast_in_dim3A_478 = vector.broadcast %broadcast_in_dim3A_477 : i32 to vector<16xi32>
      %select_n3A_479 = arith.select %and3A_454, %broadcast_in_dim3A_311, %broadcast_in_dim3A_313 : vector<16xi1>, vector<16xi32>
      %swap3A_480 = arith.index_cast %mul3A_300 : i32 to index
      %swap3A_481 = tpu.vector_load %arg13[%swap3A_480] {strides = array<i32>} : memref<3200xi32, #tpu.memory_space<vmem>>, vector<16xi32>,
      %swap3A_482 = vector.shape_cast %swap3A_481 : vector<16xi32> to vector<16xi32>
      %swap3A_483 = vector.shape_cast %select_n3A_479 : vector<16xi32> to vector<16xi32>
      tpu.vector_store %arg13[%swap3A_480], %swap3A_483 {strides = array<i32>} : memref<3200xi32, #tpu.memory_space<vmem>>, vector<16xi32>,
      %select_n3A_484 = arith.select %and3A_454, %convert_element_type3A_476, %broadcast_in_dim3A_478 : vector<16xi1>, vector<16xi32>
      %swap3A_485 = arith.index_cast %mul3A_300 : i32 to index
      %swap3A_486 = tpu.vector_load %arg14[%swap3A_485] {strides = array<i32>} : memref<3200xi32, #tpu.memory_space<vmem>>, vector<16xi32>,
      %swap3A_487 = vector.shape_cast %swap3A_486 : vector<16xi32> to vector<16xi32>
      %swap3A_488 = vector.shape_cast %select_n3A_484 : vector<16xi32> to vector<16xi32>
      tpu.vector_store %arg14[%swap3A_485], %swap3A_488 {strides = array<i32>} : memref<3200xi32, #tpu.memory_space<vmem>>, vector<16xi32>,
      %select_n3A_489 = arith.select %and3A_454, %convert_element_type3A_475, %broadcast_in_dim3A_478 : vector<16xi1>, vector<16xi32>
      %swap3A_490 = arith.index_cast %mul3A_300 : i32 to index
      %swap3A_491 = tpu.vector_load %arg15[%swap3A_490] {strides = array<i32>} : memref<3200xi32, #tpu.memory_space<vmem>>, vector<16xi32>,
      %swap3A_492 = vector.shape_cast %swap3A_491 : vector<16xi32> to vector<16xi32>
      %swap3A_493 = vector.shape_cast %select_n3A_489 : vector<16xi32> to vector<16xi32>
      tpu.vector_store %arg15[%swap3A_490], %swap3A_493 {strides = array<i32>} : memref<3200xi32, #tpu.memory_space<vmem>>, vector<16xi32>,
      %mul3A_494 = arith.constant 8 : i32
      %mul3A_495 = arith.muli %scan3A_8, %mul3A_494 : i32
      %add3A_496 = arith.constant 2 : i32
      %add3A_497 = arith.addi %mul3A_495, %add3A_496 : i32
      %mul3A_498 = arith.constant 16 : i32
      %mul3A_499 = arith.muli %add3A_497, %mul3A_498 : i32
      %get3A_500 = arith.index_cast %mul3A_499 : i32 to index
      %get3A_501 = tpu.vector_load %arg9[%get3A_500] {strides = array<i32>} : memref<3200xf32, #tpu.memory_space<vmem>>, vector<16xf32>,
      %get3A_502 = vector.shape_cast %get3A_501 : vector<16xf32> to vector<16xf32>
      %get3A_503 = arith.index_cast %mul3A_499 : i32 to index
      %get3A_504 = tpu.vector_load %arg10[%get3A_503] {strides = array<i32>} : memref<3200xf32, #tpu.memory_space<vmem>>, vector<16xf32>,
      %get3A_505 = vector.shape_cast %get3A_504 : vector<16xf32> to vector<16xf32>
      %get3A_506 = arith.index_cast %mul3A_499 : i32 to index
      %get3A_507 = tpu.vector_load %arg11[%get3A_506] {strides = array<i32>} : memref<3200xf32, #tpu.memory_space<vmem>>, vector<16xf32>,
      %get3A_508 = vector.shape_cast %get3A_507 : vector<16xf32> to vector<16xf32>
      %broadcast_in_dim3A_509 = arith.constant 1 : i32
      %broadcast_in_dim3A_510 = vector.broadcast %broadcast_in_dim3A_509 : i32 to vector<16xi32>
      %broadcast_in_dim3A_511 = arith.constant 0 : i32
      %broadcast_in_dim3A_512 = vector.broadcast %broadcast_in_dim3A_511 : i32 to vector<16xi32>
      %add3A_513 = arith.constant 5.000000e-01 : f32
      %add3A_514 = vector.broadcast %add3A_513 : f32 to vector<16xf32>
      %add3A_515 = arith.addf %get3A_502, %add3A_514 : vector<16xf32>
      %add3A_516 = arith.constant 5.000000e-01 : f32
      %add3A_517 = vector.broadcast %add3A_516 : f32 to vector<16xf32>
      %add3A_518 = arith.addf %get3A_505, %add3A_517 : vector<16xf32>
      %convert_element_type3A_519 = arith.fptosi %add3A_515 : vector<16xf32> to vector<16xi32>
      %convert_element_type3A_520 = arith.fptosi %add3A_518 : vector<16xf32> to vector<16xi32>
      %convert_element_type3A_521 = arith.sitofp %convert_element_type3A_519 : vector<16xi32> to vector<16xf32>
      %eq3A_522 = arith.cmpf oeq, %convert_element_type3A_521, %add3A_515 : vector<16xf32>
      %and3A_523 = arith.constant 1 : i32
      %and3A_524 = vector.broadcast %and3A_523 : i32 to vector<16xi32>
      %and3A_525 = arith.andi %convert_element_type3A_519, %and3A_524 : vector<16xi32>
      %eq3A_526 = arith.constant 1 : i32
      %eq3A_527 = vector.broadcast %eq3A_526 : i32 to vector<16xi32>
      %eq3A_528 = arith.cmpi eq, %and3A_525, %eq3A_527 : vector<16xi32>
      %and3A_529 = arith.andi %eq3A_522, %eq3A_528 : vector<16xi1>
      %convert_element_type3A_530 = arith.sitofp %convert_element_type3A_520 : vector<16xi32> to vector<16xf32>
      %eq3A_531 = arith.cmpf oeq, %convert_element_type3A_530, %add3A_518 : vector<16xf32>
      %and3A_532 = arith.constant 1 : i32
      %and3A_533 = vector.broadcast %and3A_532 : i32 to vector<16xi32>
      %and3A_534 = arith.andi %convert_element_type3A_520, %and3A_533 : vector<16xi32>
      %eq3A_535 = arith.constant 1 : i32
      %eq3A_536 = vector.broadcast %eq3A_535 : i32 to vector<16xi32>
      %eq3A_537 = arith.cmpi eq, %and3A_534, %eq3A_536 : vector<16xi32>
      %and3A_538 = arith.andi %eq3A_531, %eq3A_537 : vector<16xi1>
      %select_n3A_539 = arith.select %and3A_529, %broadcast_in_dim3A_510, %broadcast_in_dim3A_512 : vector<16xi1>, vector<16xi32>
      %sub3A_540 = arith.subi %convert_element_type3A_519, %select_n3A_539 : vector<16xi32>
      %select_n3A_541 = arith.select %and3A_538, %broadcast_in_dim3A_510, %broadcast_in_dim3A_512 : vector<16xi1>, vector<16xi32>
      %sub3A_542 = arith.subi %convert_element_type3A_520, %select_n3A_541 : vector<16xi32>
      %convert_element_type3A_543 = arith.sitofp %sub3A_540 : vector<16xi32> to vector<16xf32>
      %max3A_544 = arith.constant 0.000000e+00 : f32
      %max3A_545 = vector.broadcast %max3A_544 : f32 to vector<16xf32>
      %max3A_546 = arith.maximumf %convert_element_type3A_543, %max3A_545 : vector<16xf32>
      %min3A_547 = arith.minimumf %max3A_546, %get3A_92 : vector<16xf32>
      %convert_element_type3A_548 = arith.sitofp %sub3A_542 : vector<16xi32> to vector<16xf32>
      %max3A_549 = arith.constant 0.000000e+00 : f32
      %max3A_550 = vector.broadcast %max3A_549 : f32 to vector<16xf32>
      %max3A_551 = arith.maximumf %convert_element_type3A_548, %max3A_550 : vector<16xf32>
      %min3A_552 = arith.minimumf %max3A_551, %get3A_97 : vector<16xf32>
      %sub3A_553 = arith.subf %min3A_547, %get3A_12 : vector<16xf32>
      %mul3A_554 = arith.mulf %sub3A_553, %get3A_22 : vector<16xf32>
      %sub3A_555 = arith.subf %min3A_552, %get3A_17 : vector<16xf32>
      %mul3A_556 = arith.mulf %sub3A_555, %get3A_27 : vector<16xf32>
      %mul3A_557 = arith.mulf %mul3A_554, %mul3A_554 : vector<16xf32>
      %mul3A_558 = arith.mulf %mul3A_556, %mul3A_556 : vector<16xf32>
      %add3A_559 = arith.addf %mul3A_557, %mul3A_558 : vector<16xf32>
      %add3A_560 = arith.constant 1.000000e+00 : f32
      %add3A_561 = vector.broadcast %add3A_560 : f32 to vector<16xf32>
      %add3A_562 = arith.addf %add3A_559, %add3A_561 : vector<16xf32>
      %mul3A_563 = arith.constant 5.000000e-01 : f32
      %mul3A_564 = vector.broadcast %mul3A_563 : f32 to vector<16xf32>
      %mul3A_565 = arith.mulf %mul3A_564, %add3A_562 : vector<16xf32>
      %div3A_566 = arith.constant 1.000000e+00 : f32
      %div3A_567 = vector.broadcast %div3A_566 : f32 to vector<16xf32>
      %div3A_568 = arith.divf %div3A_567, %add3A_562 : vector<16xf32>
      %mul3A_569 = arith.mulf %mul3A_565, %div3A_568 : vector<16xf32>
      %mul3A_570 = arith.mulf %mul3A_569, %div3A_568 : vector<16xf32>
      %sub3A_571 = arith.constant 1.500000e+00 : f32
      %sub3A_572 = vector.broadcast %sub3A_571 : f32 to vector<16xf32>
      %sub3A_573 = arith.subf %sub3A_572, %mul3A_570 : vector<16xf32>
      %mul3A_574 = arith.mulf %div3A_568, %sub3A_573 : vector<16xf32>
      %mul3A_575 = arith.mulf %mul3A_565, %mul3A_574 : vector<16xf32>
      %mul3A_576 = arith.mulf %mul3A_575, %mul3A_574 : vector<16xf32>
      %sub3A_577 = arith.constant 1.500000e+00 : f32
      %sub3A_578 = vector.broadcast %sub3A_577 : f32 to vector<16xf32>
      %sub3A_579 = arith.subf %sub3A_578, %mul3A_576 : vector<16xf32>
      %mul3A_580 = arith.mulf %mul3A_574, %sub3A_579 : vector<16xf32>
      %mul3A_581 = arith.mulf %mul3A_565, %mul3A_580 : vector<16xf32>
      %mul3A_582 = arith.mulf %mul3A_581, %mul3A_580 : vector<16xf32>
      %sub3A_583 = arith.constant 1.500000e+00 : f32
      %sub3A_584 = vector.broadcast %sub3A_583 : f32 to vector<16xf32>
      %sub3A_585 = arith.subf %sub3A_584, %mul3A_582 : vector<16xf32>
      %mul3A_586 = arith.mulf %mul3A_580, %sub3A_585 : vector<16xf32>
      %mul3A_587 = arith.mulf %mul3A_565, %mul3A_586 : vector<16xf32>
      %mul3A_588 = arith.mulf %mul3A_587, %mul3A_586 : vector<16xf32>
      %sub3A_589 = arith.constant 1.500000e+00 : f32
      %sub3A_590 = vector.broadcast %sub3A_589 : f32 to vector<16xf32>
      %sub3A_591 = arith.subf %sub3A_590, %mul3A_588 : vector<16xf32>
      %mul3A_592 = arith.mulf %mul3A_586, %sub3A_591 : vector<16xf32>
      %mul3A_593 = arith.mulf %mul3A_554, %mul3A_592 : vector<16xf32>
      %mul3A_594 = arith.constant 6.553700e+04 : f32
      %mul3A_595 = vector.broadcast %mul3A_594 : f32 to vector<16xf32>
      %mul3A_596 = arith.mulf %mul3A_593, %mul3A_595 : vector<16xf32>
      %sub3A_597 = arith.subf %mul3A_596, %mul3A_593 : vector<16xf32>
      %sub3A_598 = arith.subf %mul3A_596, %sub3A_597 : vector<16xf32>
      %mul3A_599 = arith.mulf %mul3A_556, %mul3A_592 : vector<16xf32>
      %mul3A_600 = arith.constant 6.553700e+04 : f32
      %mul3A_601 = vector.broadcast %mul3A_600 : f32 to vector<16xf32>
      %mul3A_602 = arith.mulf %mul3A_599, %mul3A_601 : vector<16xf32>
      %sub3A_603 = arith.subf %mul3A_602, %mul3A_599 : vector<16xf32>
      %sub3A_604 = arith.subf %mul3A_602, %sub3A_603 : vector<16xf32>
      %mul3A_605 = arith.constant 6.553700e+04 : f32
      %mul3A_606 = vector.broadcast %mul3A_605 : f32 to vector<16xf32>
      %mul3A_607 = arith.mulf %mul3A_592, %mul3A_606 : vector<16xf32>
      %sub3A_608 = arith.subf %mul3A_607, %mul3A_592 : vector<16xf32>
      %sub3A_609 = arith.subf %mul3A_607, %sub3A_608 : vector<16xf32>
      %mul3A_610 = arith.mulf %get3A_32, %sub3A_598 : vector<16xf32>
      %mul3A_611 = arith.mulf %get3A_37, %sub3A_604 : vector<16xf32>
      %add3A_612 = arith.addf %mul3A_610, %mul3A_611 : vector<16xf32>
      %mul3A_613 = arith.mulf %get3A_42, %sub3A_609 : vector<16xf32>
      %add3A_614 = arith.addf %add3A_612, %mul3A_613 : vector<16xf32>
      %mul3A_615 = arith.mulf %add3A_614, %get3A_508 : vector<16xf32>
      %add3A_616 = arith.addf %get3A_77, %mul3A_615 : vector<16xf32>
      %mul3A_617 = arith.mulf %get3A_47, %sub3A_598 : vector<16xf32>
      %mul3A_618 = arith.mulf %get3A_52, %sub3A_604 : vector<16xf32>
      %add3A_619 = arith.addf %mul3A_617, %mul3A_618 : vector<16xf32>
      %mul3A_620 = arith.mulf %get3A_57, %sub3A_609 : vector<16xf32>
      %add3A_621 = arith.addf %add3A_619, %mul3A_620 : vector<16xf32>
      %mul3A_622 = arith.mulf %add3A_621, %get3A_508 : vector<16xf32>
      %add3A_623 = arith.addf %get3A_82, %mul3A_622 : vector<16xf32>
      %mul3A_624 = arith.mulf %get3A_62, %sub3A_598 : vector<16xf32>
      %mul3A_625 = arith.mulf %get3A_67, %sub3A_604 : vector<16xf32>
      %add3A_626 = arith.addf %mul3A_624, %mul3A_625 : vector<16xf32>
      %mul3A_627 = arith.mulf %get3A_72, %sub3A_609 : vector<16xf32>
      %add3A_628 = arith.addf %add3A_626, %mul3A_627 : vector<16xf32>
      %mul3A_629 = arith.mulf %add3A_628, %get3A_508 : vector<16xf32>
      %add3A_630 = arith.addf %get3A_87, %mul3A_629 : vector<16xf32>
      %ge3A_631 = arith.constant -5.120000e+01 : f32
      %ge3A_632 = vector.broadcast %ge3A_631 : f32 to vector<16xf32>
      %ge3A_633 = arith.cmpf oge, %add3A_616, %ge3A_632 : vector<16xf32>
      %lt3A_634 = arith.constant 5.120000e+01 : f32
      %lt3A_635 = vector.broadcast %lt3A_634 : f32 to vector<16xf32>
      %lt3A_636 = arith.cmpf olt, %add3A_616, %lt3A_635 : vector<16xf32>
      %and3A_637 = arith.andi %ge3A_633, %lt3A_636 : vector<16xi1>
      %ge3A_638 = arith.constant -5.120000e+01 : f32
      %ge3A_639 = vector.broadcast %ge3A_638 : f32 to vector<16xf32>
      %ge3A_640 = arith.cmpf oge, %add3A_623, %ge3A_639 : vector<16xf32>
      %and3A_641 = arith.andi %and3A_637, %ge3A_640 : vector<16xi1>
      %lt3A_642 = arith.constant 5.120000e+01 : f32
      %lt3A_643 = vector.broadcast %lt3A_642 : f32 to vector<16xf32>
      %lt3A_644 = arith.cmpf olt, %add3A_623, %lt3A_643 : vector<16xf32>
      %and3A_645 = arith.andi %and3A_641, %lt3A_644 : vector<16xi1>
      %ge3A_646 = arith.constant -5.000000e+00 : f32
      %ge3A_647 = vector.broadcast %ge3A_646 : f32 to vector<16xf32>
      %ge3A_648 = arith.cmpf oge, %add3A_630, %ge3A_647 : vector<16xf32>
      %and3A_649 = arith.andi %and3A_645, %ge3A_648 : vector<16xi1>
      %lt3A_650 = arith.constant 3.000000e+00 : f32
      %lt3A_651 = vector.broadcast %lt3A_650 : f32 to vector<16xf32>
      %lt3A_652 = arith.cmpf olt, %add3A_630, %lt3A_651 : vector<16xf32>
      %and3A_653 = arith.andi %and3A_649, %lt3A_652 : vector<16xi1>
      %sub3A_654 = arith.constant -5.120000e+01 : f32
      %sub3A_655 = vector.broadcast %sub3A_654 : f32 to vector<16xf32>
      %sub3A_656 = arith.subf %add3A_616, %sub3A_655 : vector<16xf32>
      %mul3A_657 = arith.constant 1.95312488 : f32
      %mul3A_658 = vector.broadcast %mul3A_657 : f32 to vector<16xf32>
      %mul3A_659 = arith.mulf %sub3A_656, %mul3A_658 : vector<16xf32>
      %max3A_660 = arith.constant 0.000000e+00 : f32
      %max3A_661 = vector.broadcast %max3A_660 : f32 to vector<16xf32>
      %max3A_662 = arith.maximumf %mul3A_659, %max3A_661 : vector<16xf32>
      %min3A_663 = arith.minimumf %max3A_662, %get3A_102 : vector<16xf32>
      %sub3A_664 = arith.constant -5.120000e+01 : f32
      %sub3A_665 = vector.broadcast %sub3A_664 : f32 to vector<16xf32>
      %sub3A_666 = arith.subf %add3A_623, %sub3A_665 : vector<16xf32>
      %mul3A_667 = arith.constant 1.95312488 : f32
      %mul3A_668 = vector.broadcast %mul3A_667 : f32 to vector<16xf32>
      %mul3A_669 = arith.mulf %sub3A_666, %mul3A_668 : vector<16xf32>
      %max3A_670 = arith.constant 0.000000e+00 : f32
      %max3A_671 = vector.broadcast %max3A_670 : f32 to vector<16xf32>
      %max3A_672 = arith.maximumf %mul3A_669, %max3A_671 : vector<16xf32>
      %min3A_673 = arith.minimumf %max3A_672, %get3A_107 : vector<16xf32>
      %convert_element_type3A_674 = arith.fptosi %min3A_663 : vector<16xf32> to vector<16xi32>
      %convert_element_type3A_675 = arith.fptosi %min3A_673 : vector<16xf32> to vector<16xi32>
      %broadcast_in_dim3A_676 = arith.constant -1 : i32
      %broadcast_in_dim3A_677 = vector.broadcast %broadcast_in_dim3A_676 : i32 to vector<16xi32>
      %select_n3A_678 = arith.select %and3A_653, %broadcast_in_dim3A_510, %broadcast_in_dim3A_512 : vector<16xi1>, vector<16xi32>
      %swap3A_679 = arith.index_cast %mul3A_499 : i32 to index
      %swap3A_680 = tpu.vector_load %arg13[%swap3A_679] {strides = array<i32>} : memref<3200xi32, #tpu.memory_space<vmem>>, vector<16xi32>,
      %swap3A_681 = vector.shape_cast %swap3A_680 : vector<16xi32> to vector<16xi32>
      %swap3A_682 = vector.shape_cast %select_n3A_678 : vector<16xi32> to vector<16xi32>
      tpu.vector_store %arg13[%swap3A_679], %swap3A_682 {strides = array<i32>} : memref<3200xi32, #tpu.memory_space<vmem>>, vector<16xi32>,
      %select_n3A_683 = arith.select %and3A_653, %convert_element_type3A_675, %broadcast_in_dim3A_677 : vector<16xi1>, vector<16xi32>
      %swap3A_684 = arith.index_cast %mul3A_499 : i32 to index
      %swap3A_685 = tpu.vector_load %arg14[%swap3A_684] {strides = array<i32>} : memref<3200xi32, #tpu.memory_space<vmem>>, vector<16xi32>,
      %swap3A_686 = vector.shape_cast %swap3A_685 : vector<16xi32> to vector<16xi32>
      %swap3A_687 = vector.shape_cast %select_n3A_683 : vector<16xi32> to vector<16xi32>
      tpu.vector_store %arg14[%swap3A_684], %swap3A_687 {strides = array<i32>} : memref<3200xi32, #tpu.memory_space<vmem>>, vector<16xi32>,
      %select_n3A_688 = arith.select %and3A_653, %convert_element_type3A_674, %broadcast_in_dim3A_677 : vector<16xi1>, vector<16xi32>
      %swap3A_689 = arith.index_cast %mul3A_499 : i32 to index
      %swap3A_690 = tpu.vector_load %arg15[%swap3A_689] {strides = array<i32>} : memref<3200xi32, #tpu.memory_space<vmem>>, vector<16xi32>,
      %swap3A_691 = vector.shape_cast %swap3A_690 : vector<16xi32> to vector<16xi32>
      %swap3A_692 = vector.shape_cast %select_n3A_688 : vector<16xi32> to vector<16xi32>
      tpu.vector_store %arg15[%swap3A_689], %swap3A_692 {strides = array<i32>} : memref<3200xi32, #tpu.memory_space<vmem>>, vector<16xi32>,
      %mul3A_693 = arith.constant 8 : i32
      %mul3A_694 = arith.muli %scan3A_8, %mul3A_693 : i32
      %add3A_695 = arith.constant 3 : i32
      %add3A_696 = arith.addi %mul3A_694, %add3A_695 : i32
      %mul3A_697 = arith.constant 16 : i32
      %mul3A_698 = arith.muli %add3A_696, %mul3A_697 : i32
      %get3A_699 = arith.index_cast %mul3A_698 : i32 to index
      %get3A_700 = tpu.vector_load %arg9[%get3A_699] {strides = array<i32>} : memref<3200xf32, #tpu.memory_space<vmem>>, vector<16xf32>,
      %get3A_701 = vector.shape_cast %get3A_700 : vector<16xf32> to vector<16xf32>
      %get3A_702 = arith.index_cast %mul3A_698 : i32 to index
      %get3A_703 = tpu.vector_load %arg10[%get3A_702] {strides = array<i32>} : memref<3200xf32, #tpu.memory_space<vmem>>, vector<16xf32>,
      %get3A_704 = vector.shape_cast %get3A_703 : vector<16xf32> to vector<16xf32>
      %get3A_705 = arith.index_cast %mul3A_698 : i32 to index
      %get3A_706 = tpu.vector_load %arg11[%get3A_705] {strides = array<i32>} : memref<3200xf32, #tpu.memory_space<vmem>>, vector<16xf32>,
      %get3A_707 = vector.shape_cast %get3A_706 : vector<16xf32> to vector<16xf32>
      %broadcast_in_dim3A_708 = arith.constant 1 : i32
      %broadcast_in_dim3A_709 = vector.broadcast %broadcast_in_dim3A_708 : i32 to vector<16xi32>
      %broadcast_in_dim3A_710 = arith.constant 0 : i32
      %broadcast_in_dim3A_711 = vector.broadcast %broadcast_in_dim3A_710 : i32 to vector<16xi32>
      %add3A_712 = arith.constant 5.000000e-01 : f32
      %add3A_713 = vector.broadcast %add3A_712 : f32 to vector<16xf32>
      %add3A_714 = arith.addf %get3A_701, %add3A_713 : vector<16xf32>
      %add3A_715 = arith.constant 5.000000e-01 : f32
      %add3A_716 = vector.broadcast %add3A_715 : f32 to vector<16xf32>
      %add3A_717 = arith.addf %get3A_704, %add3A_716 : vector<16xf32>
      %convert_element_type3A_718 = arith.fptosi %add3A_714 : vector<16xf32> to vector<16xi32>
      %convert_element_type3A_719 = arith.fptosi %add3A_717 : vector<16xf32> to vector<16xi32>
      %convert_element_type3A_720 = arith.sitofp %convert_element_type3A_718 : vector<16xi32> to vector<16xf32>
      %eq3A_721 = arith.cmpf oeq, %convert_element_type3A_720, %add3A_714 : vector<16xf32>
      %and3A_722 = arith.constant 1 : i32
      %and3A_723 = vector.broadcast %and3A_722 : i32 to vector<16xi32>
      %and3A_724 = arith.andi %convert_element_type3A_718, %and3A_723 : vector<16xi32>
      %eq3A_725 = arith.constant 1 : i32
      %eq3A_726 = vector.broadcast %eq3A_725 : i32 to vector<16xi32>
      %eq3A_727 = arith.cmpi eq, %and3A_724, %eq3A_726 : vector<16xi32>
      %and3A_728 = arith.andi %eq3A_721, %eq3A_727 : vector<16xi1>
      %convert_element_type3A_729 = arith.sitofp %convert_element_type3A_719 : vector<16xi32> to vector<16xf32>
      %eq3A_730 = arith.cmpf oeq, %convert_element_type3A_729, %add3A_717 : vector<16xf32>
      %and3A_731 = arith.constant 1 : i32
      %and3A_732 = vector.broadcast %and3A_731 : i32 to vector<16xi32>
      %and3A_733 = arith.andi %convert_element_type3A_719, %and3A_732 : vector<16xi32>
      %eq3A_734 = arith.constant 1 : i32
      %eq3A_735 = vector.broadcast %eq3A_734 : i32 to vector<16xi32>
      %eq3A_736 = arith.cmpi eq, %and3A_733, %eq3A_735 : vector<16xi32>
      %and3A_737 = arith.andi %eq3A_730, %eq3A_736 : vector<16xi1>
      %select_n3A_738 = arith.select %and3A_728, %broadcast_in_dim3A_709, %broadcast_in_dim3A_711 : vector<16xi1>, vector<16xi32>
      %sub3A_739 = arith.subi %convert_element_type3A_718, %select_n3A_738 : vector<16xi32>
      %select_n3A_740 = arith.select %and3A_737, %broadcast_in_dim3A_709, %broadcast_in_dim3A_711 : vector<16xi1>, vector<16xi32>
      %sub3A_741 = arith.subi %convert_element_type3A_719, %select_n3A_740 : vector<16xi32>
      %convert_element_type3A_742 = arith.sitofp %sub3A_739 : vector<16xi32> to vector<16xf32>
      %max3A_743 = arith.constant 0.000000e+00 : f32
      %max3A_744 = vector.broadcast %max3A_743 : f32 to vector<16xf32>
      %max3A_745 = arith.maximumf %convert_element_type3A_742, %max3A_744 : vector<16xf32>
      %min3A_746 = arith.minimumf %max3A_745, %get3A_92 : vector<16xf32>
      %convert_element_type3A_747 = arith.sitofp %sub3A_741 : vector<16xi32> to vector<16xf32>
      %max3A_748 = arith.constant 0.000000e+00 : f32
      %max3A_749 = vector.broadcast %max3A_748 : f32 to vector<16xf32>
      %max3A_750 = arith.maximumf %convert_element_type3A_747, %max3A_749 : vector<16xf32>
      %min3A_751 = arith.minimumf %max3A_750, %get3A_97 : vector<16xf32>
      %sub3A_752 = arith.subf %min3A_746, %get3A_12 : vector<16xf32>
      %mul3A_753 = arith.mulf %sub3A_752, %get3A_22 : vector<16xf32>
      %sub3A_754 = arith.subf %min3A_751, %get3A_17 : vector<16xf32>
      %mul3A_755 = arith.mulf %sub3A_754, %get3A_27 : vector<16xf32>
      %mul3A_756 = arith.mulf %mul3A_753, %mul3A_753 : vector<16xf32>
      %mul3A_757 = arith.mulf %mul3A_755, %mul3A_755 : vector<16xf32>
      %add3A_758 = arith.addf %mul3A_756, %mul3A_757 : vector<16xf32>
      %add3A_759 = arith.constant 1.000000e+00 : f32
      %add3A_760 = vector.broadcast %add3A_759 : f32 to vector<16xf32>
      %add3A_761 = arith.addf %add3A_758, %add3A_760 : vector<16xf32>
      %mul3A_762 = arith.constant 5.000000e-01 : f32
      %mul3A_763 = vector.broadcast %mul3A_762 : f32 to vector<16xf32>
      %mul3A_764 = arith.mulf %mul3A_763, %add3A_761 : vector<16xf32>
      %div3A_765 = arith.constant 1.000000e+00 : f32
      %div3A_766 = vector.broadcast %div3A_765 : f32 to vector<16xf32>
      %div3A_767 = arith.divf %div3A_766, %add3A_761 : vector<16xf32>
      %mul3A_768 = arith.mulf %mul3A_764, %div3A_767 : vector<16xf32>
      %mul3A_769 = arith.mulf %mul3A_768, %div3A_767 : vector<16xf32>
      %sub3A_770 = arith.constant 1.500000e+00 : f32
      %sub3A_771 = vector.broadcast %sub3A_770 : f32 to vector<16xf32>
      %sub3A_772 = arith.subf %sub3A_771, %mul3A_769 : vector<16xf32>
      %mul3A_773 = arith.mulf %div3A_767, %sub3A_772 : vector<16xf32>
      %mul3A_774 = arith.mulf %mul3A_764, %mul3A_773 : vector<16xf32>
      %mul3A_775 = arith.mulf %mul3A_774, %mul3A_773 : vector<16xf32>
      %sub3A_776 = arith.constant 1.500000e+00 : f32
      %sub3A_777 = vector.broadcast %sub3A_776 : f32 to vector<16xf32>
      %sub3A_778 = arith.subf %sub3A_777, %mul3A_775 : vector<16xf32>
      %mul3A_779 = arith.mulf %mul3A_773, %sub3A_778 : vector<16xf32>
      %mul3A_780 = arith.mulf %mul3A_764, %mul3A_779 : vector<16xf32>
      %mul3A_781 = arith.mulf %mul3A_780, %mul3A_779 : vector<16xf32>
      %sub3A_782 = arith.constant 1.500000e+00 : f32
      %sub3A_783 = vector.broadcast %sub3A_782 : f32 to vector<16xf32>
      %sub3A_784 = arith.subf %sub3A_783, %mul3A_781 : vector<16xf32>
      %mul3A_785 = arith.mulf %mul3A_779, %sub3A_784 : vector<16xf32>
      %mul3A_786 = arith.mulf %mul3A_764, %mul3A_785 : vector<16xf32>
      %mul3A_787 = arith.mulf %mul3A_786, %mul3A_785 : vector<16xf32>
      %sub3A_788 = arith.constant 1.500000e+00 : f32
      %sub3A_789 = vector.broadcast %sub3A_788 : f32 to vector<16xf32>
      %sub3A_790 = arith.subf %sub3A_789, %mul3A_787 : vector<16xf32>
      %mul3A_791 = arith.mulf %mul3A_785, %sub3A_790 : vector<16xf32>
      %mul3A_792 = arith.mulf %mul3A_753, %mul3A_791 : vector<16xf32>
      %mul3A_793 = arith.constant 6.553700e+04 : f32
      %mul3A_794 = vector.broadcast %mul3A_793 : f32 to vector<16xf32>
      %mul3A_795 = arith.mulf %mul3A_792, %mul3A_794 : vector<16xf32>
      %sub3A_796 = arith.subf %mul3A_795, %mul3A_792 : vector<16xf32>
      %sub3A_797 = arith.subf %mul3A_795, %sub3A_796 : vector<16xf32>
      %mul3A_798 = arith.mulf %mul3A_755, %mul3A_791 : vector<16xf32>
      %mul3A_799 = arith.constant 6.553700e+04 : f32
      %mul3A_800 = vector.broadcast %mul3A_799 : f32 to vector<16xf32>
      %mul3A_801 = arith.mulf %mul3A_798, %mul3A_800 : vector<16xf32>
      %sub3A_802 = arith.subf %mul3A_801, %mul3A_798 : vector<16xf32>
      %sub3A_803 = arith.subf %mul3A_801, %sub3A_802 : vector<16xf32>
      %mul3A_804 = arith.constant 6.553700e+04 : f32
      %mul3A_805 = vector.broadcast %mul3A_804 : f32 to vector<16xf32>
      %mul3A_806 = arith.mulf %mul3A_791, %mul3A_805 : vector<16xf32>
      %sub3A_807 = arith.subf %mul3A_806, %mul3A_791 : vector<16xf32>
      %sub3A_808 = arith.subf %mul3A_806, %sub3A_807 : vector<16xf32>
      %mul3A_809 = arith.mulf %get3A_32, %sub3A_797 : vector<16xf32>
      %mul3A_810 = arith.mulf %get3A_37, %sub3A_803 : vector<16xf32>
      %add3A_811 = arith.addf %mul3A_809, %mul3A_810 : vector<16xf32>
      %mul3A_812 = arith.mulf %get3A_42, %sub3A_808 : vector<16xf32>
      %add3A_813 = arith.addf %add3A_811, %mul3A_812 : vector<16xf32>
      %mul3A_814 = arith.mulf %add3A_813, %get3A_707 : vector<16xf32>
      %add3A_815 = arith.addf %get3A_77, %mul3A_814 : vector<16xf32>
      %mul3A_816 = arith.mulf %get3A_47, %sub3A_797 : vector<16xf32>
      %mul3A_817 = arith.mulf %get3A_52, %sub3A_803 : vector<16xf32>
      %add3A_818 = arith.addf %mul3A_816, %mul3A_817 : vector<16xf32>
      %mul3A_819 = arith.mulf %get3A_57, %sub3A_808 : vector<16xf32>
      %add3A_820 = arith.addf %add3A_818, %mul3A_819 : vector<16xf32>
      %mul3A_821 = arith.mulf %add3A_820, %get3A_707 : vector<16xf32>
      %add3A_822 = arith.addf %get3A_82, %mul3A_821 : vector<16xf32>
      %mul3A_823 = arith.mulf %get3A_62, %sub3A_797 : vector<16xf32>
      %mul3A_824 = arith.mulf %get3A_67, %sub3A_803 : vector<16xf32>
      %add3A_825 = arith.addf %mul3A_823, %mul3A_824 : vector<16xf32>
      %mul3A_826 = arith.mulf %get3A_72, %sub3A_808 : vector<16xf32>
      %add3A_827 = arith.addf %add3A_825, %mul3A_826 : vector<16xf32>
      %mul3A_828 = arith.mulf %add3A_827, %get3A_707 : vector<16xf32>
      %add3A_829 = arith.addf %get3A_87, %mul3A_828 : vector<16xf32>
      %ge3A_830 = arith.constant -5.120000e+01 : f32
      %ge3A_831 = vector.broadcast %ge3A_830 : f32 to vector<16xf32>
      %ge3A_832 = arith.cmpf oge, %add3A_815, %ge3A_831 : vector<16xf32>
      %lt3A_833 = arith.constant 5.120000e+01 : f32
      %lt3A_834 = vector.broadcast %lt3A_833 : f32 to vector<16xf32>
      %lt3A_835 = arith.cmpf olt, %add3A_815, %lt3A_834 : vector<16xf32>
      %and3A_836 = arith.andi %ge3A_832, %lt3A_835 : vector<16xi1>
      %ge3A_837 = arith.constant -5.120000e+01 : f32
      %ge3A_838 = vector.broadcast %ge3A_837 : f32 to vector<16xf32>
      %ge3A_839 = arith.cmpf oge, %add3A_822, %ge3A_838 : vector<16xf32>
      %and3A_840 = arith.andi %and3A_836, %ge3A_839 : vector<16xi1>
      %lt3A_841 = arith.constant 5.120000e+01 : f32
      %lt3A_842 = vector.broadcast %lt3A_841 : f32 to vector<16xf32>
      %lt3A_843 = arith.cmpf olt, %add3A_822, %lt3A_842 : vector<16xf32>
      %and3A_844 = arith.andi %and3A_840, %lt3A_843 : vector<16xi1>
      %ge3A_845 = arith.constant -5.000000e+00 : f32
      %ge3A_846 = vector.broadcast %ge3A_845 : f32 to vector<16xf32>
      %ge3A_847 = arith.cmpf oge, %add3A_829, %ge3A_846 : vector<16xf32>
      %and3A_848 = arith.andi %and3A_844, %ge3A_847 : vector<16xi1>
      %lt3A_849 = arith.constant 3.000000e+00 : f32
      %lt3A_850 = vector.broadcast %lt3A_849 : f32 to vector<16xf32>
      %lt3A_851 = arith.cmpf olt, %add3A_829, %lt3A_850 : vector<16xf32>
      %and3A_852 = arith.andi %and3A_848, %lt3A_851 : vector<16xi1>
      %sub3A_853 = arith.constant -5.120000e+01 : f32
      %sub3A_854 = vector.broadcast %sub3A_853 : f32 to vector<16xf32>
      %sub3A_855 = arith.subf %add3A_815, %sub3A_854 : vector<16xf32>
      %mul3A_856 = arith.constant 1.95312488 : f32
      %mul3A_857 = vector.broadcast %mul3A_856 : f32 to vector<16xf32>
      %mul3A_858 = arith.mulf %sub3A_855, %mul3A_857 : vector<16xf32>
      %max3A_859 = arith.constant 0.000000e+00 : f32
      %max3A_860 = vector.broadcast %max3A_859 : f32 to vector<16xf32>
      %max3A_861 = arith.maximumf %mul3A_858, %max3A_860 : vector<16xf32>
      %min3A_862 = arith.minimumf %max3A_861, %get3A_102 : vector<16xf32>
      %sub3A_863 = arith.constant -5.120000e+01 : f32
      %sub3A_864 = vector.broadcast %sub3A_863 : f32 to vector<16xf32>
      %sub3A_865 = arith.subf %add3A_822, %sub3A_864 : vector<16xf32>
      %mul3A_866 = arith.constant 1.95312488 : f32
      %mul3A_867 = vector.broadcast %mul3A_866 : f32 to vector<16xf32>
      %mul3A_868 = arith.mulf %sub3A_865, %mul3A_867 : vector<16xf32>
      %max3A_869 = arith.constant 0.000000e+00 : f32
      %max3A_870 = vector.broadcast %max3A_869 : f32 to vector<16xf32>
      %max3A_871 = arith.maximumf %mul3A_868, %max3A_870 : vector<16xf32>
      %min3A_872 = arith.minimumf %max3A_871, %get3A_107 : vector<16xf32>
      %convert_element_type3A_873 = arith.fptosi %min3A_862 : vector<16xf32> to vector<16xi32>
      %convert_element_type3A_874 = arith.fptosi %min3A_872 : vector<16xf32> to vector<16xi32>
      %broadcast_in_dim3A_875 = arith.constant -1 : i32
      %broadcast_in_dim3A_876 = vector.broadcast %broadcast_in_dim3A_875 : i32 to vector<16xi32>
      %select_n3A_877 = arith.select %and3A_852, %broadcast_in_dim3A_709, %broadcast_in_dim3A_711 : vector<16xi1>, vector<16xi32>
      %swap3A_878 = arith.index_cast %mul3A_698 : i32 to index
      %swap3A_879 = tpu.vector_load %arg13[%swap3A_878] {strides = array<i32>} : memref<3200xi32, #tpu.memory_space<vmem>>, vector<16xi32>,
      %swap3A_880 = vector.shape_cast %swap3A_879 : vector<16xi32> to vector<16xi32>
      %swap3A_881 = vector.shape_cast %select_n3A_877 : vector<16xi32> to vector<16xi32>
      tpu.vector_store %arg13[%swap3A_878], %swap3A_881 {strides = array<i32>} : memref<3200xi32, #tpu.memory_space<vmem>>, vector<16xi32>,
      %select_n3A_882 = arith.select %and3A_852, %convert_element_type3A_874, %broadcast_in_dim3A_876 : vector<16xi1>, vector<16xi32>
      %swap3A_883 = arith.index_cast %mul3A_698 : i32 to index
      %swap3A_884 = tpu.vector_load %arg14[%swap3A_883] {strides = array<i32>} : memref<3200xi32, #tpu.memory_space<vmem>>, vector<16xi32>,
      %swap3A_885 = vector.shape_cast %swap3A_884 : vector<16xi32> to vector<16xi32>
      %swap3A_886 = vector.shape_cast %select_n3A_882 : vector<16xi32> to vector<16xi32>
      tpu.vector_store %arg14[%swap3A_883], %swap3A_886 {strides = array<i32>} : memref<3200xi32, #tpu.memory_space<vmem>>, vector<16xi32>,
      %select_n3A_887 = arith.select %and3A_852, %convert_element_type3A_873, %broadcast_in_dim3A_876 : vector<16xi1>, vector<16xi32>
      %swap3A_888 = arith.index_cast %mul3A_698 : i32 to index
      %swap3A_889 = tpu.vector_load %arg15[%swap3A_888] {strides = array<i32>} : memref<3200xi32, #tpu.memory_space<vmem>>, vector<16xi32>,
      %swap3A_890 = vector.shape_cast %swap3A_889 : vector<16xi32> to vector<16xi32>
      %swap3A_891 = vector.shape_cast %select_n3A_887 : vector<16xi32> to vector<16xi32>
      tpu.vector_store %arg15[%swap3A_888], %swap3A_891 {strides = array<i32>} : memref<3200xi32, #tpu.memory_space<vmem>>, vector<16xi32>,
      %mul3A_892 = arith.constant 8 : i32
      %mul3A_893 = arith.muli %scan3A_8, %mul3A_892 : i32
      %add3A_894 = arith.constant 4 : i32
      %add3A_895 = arith.addi %mul3A_893, %add3A_894 : i32
      %mul3A_896 = arith.constant 16 : i32
      %mul3A_897 = arith.muli %add3A_895, %mul3A_896 : i32
      %get3A_898 = arith.index_cast %mul3A_897 : i32 to index
      %get3A_899 = tpu.vector_load %arg9[%get3A_898] {strides = array<i32>} : memref<3200xf32, #tpu.memory_space<vmem>>, vector<16xf32>,
      %get3A_900 = vector.shape_cast %get3A_899 : vector<16xf32> to vector<16xf32>
      %get3A_901 = arith.index_cast %mul3A_897 : i32 to index
      %get3A_902 = tpu.vector_load %arg10[%get3A_901] {strides = array<i32>} : memref<3200xf32, #tpu.memory_space<vmem>>, vector<16xf32>,
      %get3A_903 = vector.shape_cast %get3A_902 : vector<16xf32> to vector<16xf32>
      %get3A_904 = arith.index_cast %mul3A_897 : i32 to index
      %get3A_905 = tpu.vector_load %arg11[%get3A_904] {strides = array<i32>} : memref<3200xf32, #tpu.memory_space<vmem>>, vector<16xf32>,
      %get3A_906 = vector.shape_cast %get3A_905 : vector<16xf32> to vector<16xf32>
      %broadcast_in_dim3A_907 = arith.constant 1 : i32
      %broadcast_in_dim3A_908 = vector.broadcast %broadcast_in_dim3A_907 : i32 to vector<16xi32>
      %broadcast_in_dim3A_909 = arith.constant 0 : i32
      %broadcast_in_dim3A_910 = vector.broadcast %broadcast_in_dim3A_909 : i32 to vector<16xi32>
      %add3A_911 = arith.constant 5.000000e-01 : f32
      %add3A_912 = vector.broadcast %add3A_911 : f32 to vector<16xf32>
      %add3A_913 = arith.addf %get3A_900, %add3A_912 : vector<16xf32>
      %add3A_914 = arith.constant 5.000000e-01 : f32
      %add3A_915 = vector.broadcast %add3A_914 : f32 to vector<16xf32>
      %add3A_916 = arith.addf %get3A_903, %add3A_915 : vector<16xf32>
      %convert_element_type3A_917 = arith.fptosi %add3A_913 : vector<16xf32> to vector<16xi32>
      %convert_element_type3A_918 = arith.fptosi %add3A_916 : vector<16xf32> to vector<16xi32>
      %convert_element_type3A_919 = arith.sitofp %convert_element_type3A_917 : vector<16xi32> to vector<16xf32>
      %eq3A_920 = arith.cmpf oeq, %convert_element_type3A_919, %add3A_913 : vector<16xf32>
      %and3A_921 = arith.constant 1 : i32
      %and3A_922 = vector.broadcast %and3A_921 : i32 to vector<16xi32>
      %and3A_923 = arith.andi %convert_element_type3A_917, %and3A_922 : vector<16xi32>
      %eq3A_924 = arith.constant 1 : i32
      %eq3A_925 = vector.broadcast %eq3A_924 : i32 to vector<16xi32>
      %eq3A_926 = arith.cmpi eq, %and3A_923, %eq3A_925 : vector<16xi32>
      %and3A_927 = arith.andi %eq3A_920, %eq3A_926 : vector<16xi1>
      %convert_element_type3A_928 = arith.sitofp %convert_element_type3A_918 : vector<16xi32> to vector<16xf32>
      %eq3A_929 = arith.cmpf oeq, %convert_element_type3A_928, %add3A_916 : vector<16xf32>
      %and3A_930 = arith.constant 1 : i32
      %and3A_931 = vector.broadcast %and3A_930 : i32 to vector<16xi32>
      %and3A_932 = arith.andi %convert_element_type3A_918, %and3A_931 : vector<16xi32>
      %eq3A_933 = arith.constant 1 : i32
      %eq3A_934 = vector.broadcast %eq3A_933 : i32 to vector<16xi32>
      %eq3A_935 = arith.cmpi eq, %and3A_932, %eq3A_934 : vector<16xi32>
      %and3A_936 = arith.andi %eq3A_929, %eq3A_935 : vector<16xi1>
      %select_n3A_937 = arith.select %and3A_927, %broadcast_in_dim3A_908, %broadcast_in_dim3A_910 : vector<16xi1>, vector<16xi32>
      %sub3A_938 = arith.subi %convert_element_type3A_917, %select_n3A_937 : vector<16xi32>
      %select_n3A_939 = arith.select %and3A_936, %broadcast_in_dim3A_908, %broadcast_in_dim3A_910 : vector<16xi1>, vector<16xi32>
      %sub3A_940 = arith.subi %convert_element_type3A_918, %select_n3A_939 : vector<16xi32>
      %convert_element_type3A_941 = arith.sitofp %sub3A_938 : vector<16xi32> to vector<16xf32>
      %max3A_942 = arith.constant 0.000000e+00 : f32
      %max3A_943 = vector.broadcast %max3A_942 : f32 to vector<16xf32>
      %max3A_944 = arith.maximumf %convert_element_type3A_941, %max3A_943 : vector<16xf32>
      %min3A_945 = arith.minimumf %max3A_944, %get3A_92 : vector<16xf32>
      %convert_element_type3A_946 = arith.sitofp %sub3A_940 : vector<16xi32> to vector<16xf32>
      %max3A_947 = arith.constant 0.000000e+00 : f32
      %max3A_948 = vector.broadcast %max3A_947 : f32 to vector<16xf32>
      %max3A_949 = arith.maximumf %convert_element_type3A_946, %max3A_948 : vector<16xf32>
      %min3A_950 = arith.minimumf %max3A_949, %get3A_97 : vector<16xf32>
      %sub3A_951 = arith.subf %min3A_945, %get3A_12 : vector<16xf32>
      %mul3A_952 = arith.mulf %sub3A_951, %get3A_22 : vector<16xf32>
      %sub3A_953 = arith.subf %min3A_950, %get3A_17 : vector<16xf32>
      %mul3A_954 = arith.mulf %sub3A_953, %get3A_27 : vector<16xf32>
      %mul3A_955 = arith.mulf %mul3A_952, %mul3A_952 : vector<16xf32>
      %mul3A_956 = arith.mulf %mul3A_954, %mul3A_954 : vector<16xf32>
      %add3A_957 = arith.addf %mul3A_955, %mul3A_956 : vector<16xf32>
      %add3A_958 = arith.constant 1.000000e+00 : f32
      %add3A_959 = vector.broadcast %add3A_958 : f32 to vector<16xf32>
      %add3A_960 = arith.addf %add3A_957, %add3A_959 : vector<16xf32>
      %mul3A_961 = arith.constant 5.000000e-01 : f32
      %mul3A_962 = vector.broadcast %mul3A_961 : f32 to vector<16xf32>
      %mul3A_963 = arith.mulf %mul3A_962, %add3A_960 : vector<16xf32>
      %div3A_964 = arith.constant 1.000000e+00 : f32
      %div3A_965 = vector.broadcast %div3A_964 : f32 to vector<16xf32>
      %div3A_966 = arith.divf %div3A_965, %add3A_960 : vector<16xf32>
      %mul3A_967 = arith.mulf %mul3A_963, %div3A_966 : vector<16xf32>
      %mul3A_968 = arith.mulf %mul3A_967, %div3A_966 : vector<16xf32>
      %sub3A_969 = arith.constant 1.500000e+00 : f32
      %sub3A_970 = vector.broadcast %sub3A_969 : f32 to vector<16xf32>
      %sub3A_971 = arith.subf %sub3A_970, %mul3A_968 : vector<16xf32>
      %mul3A_972 = arith.mulf %div3A_966, %sub3A_971 : vector<16xf32>
      %mul3A_973 = arith.mulf %mul3A_963, %mul3A_972 : vector<16xf32>
      %mul3A_974 = arith.mulf %mul3A_973, %mul3A_972 : vector<16xf32>
      %sub3A_975 = arith.constant 1.500000e+00 : f32
      %sub3A_976 = vector.broadcast %sub3A_975 : f32 to vector<16xf32>
      %sub3A_977 = arith.subf %sub3A_976, %mul3A_974 : vector<16xf32>
      %mul3A_978 = arith.mulf %mul3A_972, %sub3A_977 : vector<16xf32>
      %mul3A_979 = arith.mulf %mul3A_963, %mul3A_978 : vector<16xf32>
      %mul3A_980 = arith.mulf %mul3A_979, %mul3A_978 : vector<16xf32>
      %sub3A_981 = arith.constant 1.500000e+00 : f32
      %sub3A_982 = vector.broadcast %sub3A_981 : f32 to vector<16xf32>
      %sub3A_983 = arith.subf %sub3A_982, %mul3A_980 : vector<16xf32>
      %mul3A_984 = arith.mulf %mul3A_978, %sub3A_983 : vector<16xf32>
      %mul3A_985 = arith.mulf %mul3A_963, %mul3A_984 : vector<16xf32>
      %mul3A_986 = arith.mulf %mul3A_985, %mul3A_984 : vector<16xf32>
      %sub3A_987 = arith.constant 1.500000e+00 : f32
      %sub3A_988 = vector.broadcast %sub3A_987 : f32 to vector<16xf32>
      %sub3A_989 = arith.subf %sub3A_988, %mul3A_986 : vector<16xf32>
      %mul3A_990 = arith.mulf %mul3A_984, %sub3A_989 : vector<16xf32>
      %mul3A_991 = arith.mulf %mul3A_952, %mul3A_990 : vector<16xf32>
      %mul3A_992 = arith.constant 6.553700e+04 : f32
      %mul3A_993 = vector.broadcast %mul3A_992 : f32 to vector<16xf32>
      %mul3A_994 = arith.mulf %mul3A_991, %mul3A_993 : vector<16xf32>
      %sub3A_995 = arith.subf %mul3A_994, %mul3A_991 : vector<16xf32>
      %sub3A_996 = arith.subf %mul3A_994, %sub3A_995 : vector<16xf32>
      %mul3A_997 = arith.mulf %mul3A_954, %mul3A_990 : vector<16xf32>
      %mul3A_998 = arith.constant 6.553700e+04 : f32
      %mul3A_999 = vector.broadcast %mul3A_998 : f32 to vector<16xf32>
      %mul3A_1000 = arith.mulf %mul3A_997, %mul3A_999 : vector<16xf32>
      %sub3A_1001 = arith.subf %mul3A_1000, %mul3A_997 : vector<16xf32>
      %sub3A_1002 = arith.subf %mul3A_1000, %sub3A_1001 : vector<16xf32>
      %mul3A_1003 = arith.constant 6.553700e+04 : f32
      %mul3A_1004 = vector.broadcast %mul3A_1003 : f32 to vector<16xf32>
      %mul3A_1005 = arith.mulf %mul3A_990, %mul3A_1004 : vector<16xf32>
      %sub3A_1006 = arith.subf %mul3A_1005, %mul3A_990 : vector<16xf32>
      %sub3A_1007 = arith.subf %mul3A_1005, %sub3A_1006 : vector<16xf32>
      %mul3A_1008 = arith.mulf %get3A_32, %sub3A_996 : vector<16xf32>
      %mul3A_1009 = arith.mulf %get3A_37, %sub3A_1002 : vector<16xf32>
      %add3A_1010 = arith.addf %mul3A_1008, %mul3A_1009 : vector<16xf32>
      %mul3A_1011 = arith.mulf %get3A_42, %sub3A_1007 : vector<16xf32>
      %add3A_1012 = arith.addf %add3A_1010, %mul3A_1011 : vector<16xf32>
      %mul3A_1013 = arith.mulf %add3A_1012, %get3A_906 : vector<16xf32>
      %add3A_1014 = arith.addf %get3A_77, %mul3A_1013 : vector<16xf32>
      %mul3A_1015 = arith.mulf %get3A_47, %sub3A_996 : vector<16xf32>
      %mul3A_1016 = arith.mulf %get3A_52, %sub3A_1002 : vector<16xf32>
      %add3A_1017 = arith.addf %mul3A_1015, %mul3A_1016 : vector<16xf32>
      %mul3A_1018 = arith.mulf %get3A_57, %sub3A_1007 : vector<16xf32>
      %add3A_1019 = arith.addf %add3A_1017, %mul3A_1018 : vector<16xf32>
      %mul3A_1020 = arith.mulf %add3A_1019, %get3A_906 : vector<16xf32>
      %add3A_1021 = arith.addf %get3A_82, %mul3A_1020 : vector<16xf32>
      %mul3A_1022 = arith.mulf %get3A_62, %sub3A_996 : vector<16xf32>
      %mul3A_1023 = arith.mulf %get3A_67, %sub3A_1002 : vector<16xf32>
      %add3A_1024 = arith.addf %mul3A_1022, %mul3A_1023 : vector<16xf32>
      %mul3A_1025 = arith.mulf %get3A_72, %sub3A_1007 : vector<16xf32>
      %add3A_1026 = arith.addf %add3A_1024, %mul3A_1025 : vector<16xf32>
      %mul3A_1027 = arith.mulf %add3A_1026, %get3A_906 : vector<16xf32>
      %add3A_1028 = arith.addf %get3A_87, %mul3A_1027 : vector<16xf32>
      %ge3A_1029 = arith.constant -5.120000e+01 : f32
      %ge3A_1030 = vector.broadcast %ge3A_1029 : f32 to vector<16xf32>
      %ge3A_1031 = arith.cmpf oge, %add3A_1014, %ge3A_1030 : vector<16xf32>
      %lt3A_1032 = arith.constant 5.120000e+01 : f32
      %lt3A_1033 = vector.broadcast %lt3A_1032 : f32 to vector<16xf32>
      %lt3A_1034 = arith.cmpf olt, %add3A_1014, %lt3A_1033 : vector<16xf32>
      %and3A_1035 = arith.andi %ge3A_1031, %lt3A_1034 : vector<16xi1>
      %ge3A_1036 = arith.constant -5.120000e+01 : f32
      %ge3A_1037 = vector.broadcast %ge3A_1036 : f32 to vector<16xf32>
      %ge3A_1038 = arith.cmpf oge, %add3A_1021, %ge3A_1037 : vector<16xf32>
      %and3A_1039 = arith.andi %and3A_1035, %ge3A_1038 : vector<16xi1>
      %lt3A_1040 = arith.constant 5.120000e+01 : f32
      %lt3A_1041 = vector.broadcast %lt3A_1040 : f32 to vector<16xf32>
      %lt3A_1042 = arith.cmpf olt, %add3A_1021, %lt3A_1041 : vector<16xf32>
      %and3A_1043 = arith.andi %and3A_1039, %lt3A_1042 : vector<16xi1>
      %ge3A_1044 = arith.constant -5.000000e+00 : f32
      %ge3A_1045 = vector.broadcast %ge3A_1044 : f32 to vector<16xf32>
      %ge3A_1046 = arith.cmpf oge, %add3A_1028, %ge3A_1045 : vector<16xf32>
      %and3A_1047 = arith.andi %and3A_1043, %ge3A_1046 : vector<16xi1>
      %lt3A_1048 = arith.constant 3.000000e+00 : f32
      %lt3A_1049 = vector.broadcast %lt3A_1048 : f32 to vector<16xf32>
      %lt3A_1050 = arith.cmpf olt, %add3A_1028, %lt3A_1049 : vector<16xf32>
      %and3A_1051 = arith.andi %and3A_1047, %lt3A_1050 : vector<16xi1>
      %sub3A_1052 = arith.constant -5.120000e+01 : f32
      %sub3A_1053 = vector.broadcast %sub3A_1052 : f32 to vector<16xf32>
      %sub3A_1054 = arith.subf %add3A_1014, %sub3A_1053 : vector<16xf32>
      %mul3A_1055 = arith.constant 1.95312488 : f32
      %mul3A_1056 = vector.broadcast %mul3A_1055 : f32 to vector<16xf32>
      %mul3A_1057 = arith.mulf %sub3A_1054, %mul3A_1056 : vector<16xf32>
      %max3A_1058 = arith.constant 0.000000e+00 : f32
      %max3A_1059 = vector.broadcast %max3A_1058 : f32 to vector<16xf32>
      %max3A_1060 = arith.maximumf %mul3A_1057, %max3A_1059 : vector<16xf32>
      %min3A_1061 = arith.minimumf %max3A_1060, %get3A_102 : vector<16xf32>
      %sub3A_1062 = arith.constant -5.120000e+01 : f32
      %sub3A_1063 = vector.broadcast %sub3A_1062 : f32 to vector<16xf32>
      %sub3A_1064 = arith.subf %add3A_1021, %sub3A_1063 : vector<16xf32>
      %mul3A_1065 = arith.constant 1.95312488 : f32
      %mul3A_1066 = vector.broadcast %mul3A_1065 : f32 to vector<16xf32>
      %mul3A_1067 = arith.mulf %sub3A_1064, %mul3A_1066 : vector<16xf32>
      %max3A_1068 = arith.constant 0.000000e+00 : f32
      %max3A_1069 = vector.broadcast %max3A_1068 : f32 to vector<16xf32>
      %max3A_1070 = arith.maximumf %mul3A_1067, %max3A_1069 : vector<16xf32>
      %min3A_1071 = arith.minimumf %max3A_1070, %get3A_107 : vector<16xf32>
      %convert_element_type3A_1072 = arith.fptosi %min3A_1061 : vector<16xf32> to vector<16xi32>
      %convert_element_type3A_1073 = arith.fptosi %min3A_1071 : vector<16xf32> to vector<16xi32>
      %broadcast_in_dim3A_1074 = arith.constant -1 : i32
      %broadcast_in_dim3A_1075 = vector.broadcast %broadcast_in_dim3A_1074 : i32 to vector<16xi32>
      %select_n3A_1076 = arith.select %and3A_1051, %broadcast_in_dim3A_908, %broadcast_in_dim3A_910 : vector<16xi1>, vector<16xi32>
      %swap3A_1077 = arith.index_cast %mul3A_897 : i32 to index
      %swap3A_1078 = tpu.vector_load %arg13[%swap3A_1077] {strides = array<i32>} : memref<3200xi32, #tpu.memory_space<vmem>>, vector<16xi32>,
      %swap3A_1079 = vector.shape_cast %swap3A_1078 : vector<16xi32> to vector<16xi32>
      %swap3A_1080 = vector.shape_cast %select_n3A_1076 : vector<16xi32> to vector<16xi32>
      tpu.vector_store %arg13[%swap3A_1077], %swap3A_1080 {strides = array<i32>} : memref<3200xi32, #tpu.memory_space<vmem>>, vector<16xi32>,
      %select_n3A_1081 = arith.select %and3A_1051, %convert_element_type3A_1073, %broadcast_in_dim3A_1075 : vector<16xi1>, vector<16xi32>
      %swap3A_1082 = arith.index_cast %mul3A_897 : i32 to index
      %swap3A_1083 = tpu.vector_load %arg14[%swap3A_1082] {strides = array<i32>} : memref<3200xi32, #tpu.memory_space<vmem>>, vector<16xi32>,
      %swap3A_1084 = vector.shape_cast %swap3A_1083 : vector<16xi32> to vector<16xi32>
      %swap3A_1085 = vector.shape_cast %select_n3A_1081 : vector<16xi32> to vector<16xi32>
      tpu.vector_store %arg14[%swap3A_1082], %swap3A_1085 {strides = array<i32>} : memref<3200xi32, #tpu.memory_space<vmem>>, vector<16xi32>,
      %select_n3A_1086 = arith.select %and3A_1051, %convert_element_type3A_1072, %broadcast_in_dim3A_1075 : vector<16xi1>, vector<16xi32>
      %swap3A_1087 = arith.index_cast %mul3A_897 : i32 to index
      %swap3A_1088 = tpu.vector_load %arg15[%swap3A_1087] {strides = array<i32>} : memref<3200xi32, #tpu.memory_space<vmem>>, vector<16xi32>,
      %swap3A_1089 = vector.shape_cast %swap3A_1088 : vector<16xi32> to vector<16xi32>
      %swap3A_1090 = vector.shape_cast %select_n3A_1086 : vector<16xi32> to vector<16xi32>
      tpu.vector_store %arg15[%swap3A_1087], %swap3A_1090 {strides = array<i32>} : memref<3200xi32, #tpu.memory_space<vmem>>, vector<16xi32>,
      %mul3A_1091 = arith.constant 8 : i32
      %mul3A_1092 = arith.muli %scan3A_8, %mul3A_1091 : i32
      %add3A_1093 = arith.constant 5 : i32
      %add3A_1094 = arith.addi %mul3A_1092, %add3A_1093 : i32
      %mul3A_1095 = arith.constant 16 : i32
      %mul3A_1096 = arith.muli %add3A_1094, %mul3A_1095 : i32
      %get3A_1097 = arith.index_cast %mul3A_1096 : i32 to index
      %get3A_1098 = tpu.vector_load %arg9[%get3A_1097] {strides = array<i32>} : memref<3200xf32, #tpu.memory_space<vmem>>, vector<16xf32>,
      %get3A_1099 = vector.shape_cast %get3A_1098 : vector<16xf32> to vector<16xf32>
      %get3A_1100 = arith.index_cast %mul3A_1096 : i32 to index
      %get3A_1101 = tpu.vector_load %arg10[%get3A_1100] {strides = array<i32>} : memref<3200xf32, #tpu.memory_space<vmem>>, vector<16xf32>,
      %get3A_1102 = vector.shape_cast %get3A_1101 : vector<16xf32> to vector<16xf32>
      %get3A_1103 = arith.index_cast %mul3A_1096 : i32 to index
      %get3A_1104 = tpu.vector_load %arg11[%get3A_1103] {strides = array<i32>} : memref<3200xf32, #tpu.memory_space<vmem>>, vector<16xf32>,
      %get3A_1105 = vector.shape_cast %get3A_1104 : vector<16xf32> to vector<16xf32>
      %broadcast_in_dim3A_1106 = arith.constant 1 : i32
      %broadcast_in_dim3A_1107 = vector.broadcast %broadcast_in_dim3A_1106 : i32 to vector<16xi32>
      %broadcast_in_dim3A_1108 = arith.constant 0 : i32
      %broadcast_in_dim3A_1109 = vector.broadcast %broadcast_in_dim3A_1108 : i32 to vector<16xi32>
      %add3A_1110 = arith.constant 5.000000e-01 : f32
      %add3A_1111 = vector.broadcast %add3A_1110 : f32 to vector<16xf32>
      %add3A_1112 = arith.addf %get3A_1099, %add3A_1111 : vector<16xf32>
      %add3A_1113 = arith.constant 5.000000e-01 : f32
      %add3A_1114 = vector.broadcast %add3A_1113 : f32 to vector<16xf32>
      %add3A_1115 = arith.addf %get3A_1102, %add3A_1114 : vector<16xf32>
      %convert_element_type3A_1116 = arith.fptosi %add3A_1112 : vector<16xf32> to vector<16xi32>
      %convert_element_type3A_1117 = arith.fptosi %add3A_1115 : vector<16xf32> to vector<16xi32>
      %convert_element_type3A_1118 = arith.sitofp %convert_element_type3A_1116 : vector<16xi32> to vector<16xf32>
      %eq3A_1119 = arith.cmpf oeq, %convert_element_type3A_1118, %add3A_1112 : vector<16xf32>
      %and3A_1120 = arith.constant 1 : i32
      %and3A_1121 = vector.broadcast %and3A_1120 : i32 to vector<16xi32>
      %and3A_1122 = arith.andi %convert_element_type3A_1116, %and3A_1121 : vector<16xi32>
      %eq3A_1123 = arith.constant 1 : i32
      %eq3A_1124 = vector.broadcast %eq3A_1123 : i32 to vector<16xi32>
      %eq3A_1125 = arith.cmpi eq, %and3A_1122, %eq3A_1124 : vector<16xi32>
      %and3A_1126 = arith.andi %eq3A_1119, %eq3A_1125 : vector<16xi1>
      %convert_element_type3A_1127 = arith.sitofp %convert_element_type3A_1117 : vector<16xi32> to vector<16xf32>
      %eq3A_1128 = arith.cmpf oeq, %convert_element_type3A_1127, %add3A_1115 : vector<16xf32>
      %and3A_1129 = arith.constant 1 : i32
      %and3A_1130 = vector.broadcast %and3A_1129 : i32 to vector<16xi32>
      %and3A_1131 = arith.andi %convert_element_type3A_1117, %and3A_1130 : vector<16xi32>
      %eq3A_1132 = arith.constant 1 : i32
      %eq3A_1133 = vector.broadcast %eq3A_1132 : i32 to vector<16xi32>
      %eq3A_1134 = arith.cmpi eq, %and3A_1131, %eq3A_1133 : vector<16xi32>
      %and3A_1135 = arith.andi %eq3A_1128, %eq3A_1134 : vector<16xi1>
      %select_n3A_1136 = arith.select %and3A_1126, %broadcast_in_dim3A_1107, %broadcast_in_dim3A_1109 : vector<16xi1>, vector<16xi32>
      %sub3A_1137 = arith.subi %convert_element_type3A_1116, %select_n3A_1136 : vector<16xi32>
      %select_n3A_1138 = arith.select %and3A_1135, %broadcast_in_dim3A_1107, %broadcast_in_dim3A_1109 : vector<16xi1>, vector<16xi32>
      %sub3A_1139 = arith.subi %convert_element_type3A_1117, %select_n3A_1138 : vector<16xi32>
      %convert_element_type3A_1140 = arith.sitofp %sub3A_1137 : vector<16xi32> to vector<16xf32>
      %max3A_1141 = arith.constant 0.000000e+00 : f32
      %max3A_1142 = vector.broadcast %max3A_1141 : f32 to vector<16xf32>
      %max3A_1143 = arith.maximumf %convert_element_type3A_1140, %max3A_1142 : vector<16xf32>
      %min3A_1144 = arith.minimumf %max3A_1143, %get3A_92 : vector<16xf32>
      %convert_element_type3A_1145 = arith.sitofp %sub3A_1139 : vector<16xi32> to vector<16xf32>
      %max3A_1146 = arith.constant 0.000000e+00 : f32
      %max3A_1147 = vector.broadcast %max3A_1146 : f32 to vector<16xf32>
      %max3A_1148 = arith.maximumf %convert_element_type3A_1145, %max3A_1147 : vector<16xf32>
      %min3A_1149 = arith.minimumf %max3A_1148, %get3A_97 : vector<16xf32>
      %sub3A_1150 = arith.subf %min3A_1144, %get3A_12 : vector<16xf32>
      %mul3A_1151 = arith.mulf %sub3A_1150, %get3A_22 : vector<16xf32>
      %sub3A_1152 = arith.subf %min3A_1149, %get3A_17 : vector<16xf32>
      %mul3A_1153 = arith.mulf %sub3A_1152, %get3A_27 : vector<16xf32>
      %mul3A_1154 = arith.mulf %mul3A_1151, %mul3A_1151 : vector<16xf32>
      %mul3A_1155 = arith.mulf %mul3A_1153, %mul3A_1153 : vector<16xf32>
      %add3A_1156 = arith.addf %mul3A_1154, %mul3A_1155 : vector<16xf32>
      %add3A_1157 = arith.constant 1.000000e+00 : f32
      %add3A_1158 = vector.broadcast %add3A_1157 : f32 to vector<16xf32>
      %add3A_1159 = arith.addf %add3A_1156, %add3A_1158 : vector<16xf32>
      %mul3A_1160 = arith.constant 5.000000e-01 : f32
      %mul3A_1161 = vector.broadcast %mul3A_1160 : f32 to vector<16xf32>
      %mul3A_1162 = arith.mulf %mul3A_1161, %add3A_1159 : vector<16xf32>
      %div3A_1163 = arith.constant 1.000000e+00 : f32
      %div3A_1164 = vector.broadcast %div3A_1163 : f32 to vector<16xf32>
      %div3A_1165 = arith.divf %div3A_1164, %add3A_1159 : vector<16xf32>
      %mul3A_1166 = arith.mulf %mul3A_1162, %div3A_1165 : vector<16xf32>
      %mul3A_1167 = arith.mulf %mul3A_1166, %div3A_1165 : vector<16xf32>
      %sub3A_1168 = arith.constant 1.500000e+00 : f32
      %sub3A_1169 = vector.broadcast %sub3A_1168 : f32 to vector<16xf32>
      %sub3A_1170 = arith.subf %sub3A_1169, %mul3A_1167 : vector<16xf32>
      %mul3A_1171 = arith.mulf %div3A_1165, %sub3A_1170 : vector<16xf32>
      %mul3A_1172 = arith.mulf %mul3A_1162, %mul3A_1171 : vector<16xf32>
      %mul3A_1173 = arith.mulf %mul3A_1172, %mul3A_1171 : vector<16xf32>
      %sub3A_1174 = arith.constant 1.500000e+00 : f32
      %sub3A_1175 = vector.broadcast %sub3A_1174 : f32 to vector<16xf32>
      %sub3A_1176 = arith.subf %sub3A_1175, %mul3A_1173 : vector<16xf32>
      %mul3A_1177 = arith.mulf %mul3A_1171, %sub3A_1176 : vector<16xf32>
      %mul3A_1178 = arith.mulf %mul3A_1162, %mul3A_1177 : vector<16xf32>
      %mul3A_1179 = arith.mulf %mul3A_1178, %mul3A_1177 : vector<16xf32>
      %sub3A_1180 = arith.constant 1.500000e+00 : f32
      %sub3A_1181 = vector.broadcast %sub3A_1180 : f32 to vector<16xf32>
      %sub3A_1182 = arith.subf %sub3A_1181, %mul3A_1179 : vector<16xf32>
      %mul3A_1183 = arith.mulf %mul3A_1177, %sub3A_1182 : vector<16xf32>
      %mul3A_1184 = arith.mulf %mul3A_1162, %mul3A_1183 : vector<16xf32>
      %mul3A_1185 = arith.mulf %mul3A_1184, %mul3A_1183 : vector<16xf32>
      %sub3A_1186 = arith.constant 1.500000e+00 : f32
      %sub3A_1187 = vector.broadcast %sub3A_1186 : f32 to vector<16xf32>
      %sub3A_1188 = arith.subf %sub3A_1187, %mul3A_1185 : vector<16xf32>
      %mul3A_1189 = arith.mulf %mul3A_1183, %sub3A_1188 : vector<16xf32>
      %mul3A_1190 = arith.mulf %mul3A_1151, %mul3A_1189 : vector<16xf32>
      %mul3A_1191 = arith.constant 6.553700e+04 : f32
      %mul3A_1192 = vector.broadcast %mul3A_1191 : f32 to vector<16xf32>
      %mul3A_1193 = arith.mulf %mul3A_1190, %mul3A_1192 : vector<16xf32>
      %sub3A_1194 = arith.subf %mul3A_1193, %mul3A_1190 : vector<16xf32>
      %sub3A_1195 = arith.subf %mul3A_1193, %sub3A_1194 : vector<16xf32>
      %mul3A_1196 = arith.mulf %mul3A_1153, %mul3A_1189 : vector<16xf32>
      %mul3A_1197 = arith.constant 6.553700e+04 : f32
      %mul3A_1198 = vector.broadcast %mul3A_1197 : f32 to vector<16xf32>
      %mul3A_1199 = arith.mulf %mul3A_1196, %mul3A_1198 : vector<16xf32>
      %sub3A_1200 = arith.subf %mul3A_1199, %mul3A_1196 : vector<16xf32>
      %sub3A_1201 = arith.subf %mul3A_1199, %sub3A_1200 : vector<16xf32>
      %mul3A_1202 = arith.constant 6.553700e+04 : f32
      %mul3A_1203 = vector.broadcast %mul3A_1202 : f32 to vector<16xf32>
      %mul3A_1204 = arith.mulf %mul3A_1189, %mul3A_1203 : vector<16xf32>
      %sub3A_1205 = arith.subf %mul3A_1204, %mul3A_1189 : vector<16xf32>
      %sub3A_1206 = arith.subf %mul3A_1204, %sub3A_1205 : vector<16xf32>
      %mul3A_1207 = arith.mulf %get3A_32, %sub3A_1195 : vector<16xf32>
      %mul3A_1208 = arith.mulf %get3A_37, %sub3A_1201 : vector<16xf32>
      %add3A_1209 = arith.addf %mul3A_1207, %mul3A_1208 : vector<16xf32>
      %mul3A_1210 = arith.mulf %get3A_42, %sub3A_1206 : vector<16xf32>
      %add3A_1211 = arith.addf %add3A_1209, %mul3A_1210 : vector<16xf32>
      %mul3A_1212 = arith.mulf %add3A_1211, %get3A_1105 : vector<16xf32>
      %add3A_1213 = arith.addf %get3A_77, %mul3A_1212 : vector<16xf32>
      %mul3A_1214 = arith.mulf %get3A_47, %sub3A_1195 : vector<16xf32>
      %mul3A_1215 = arith.mulf %get3A_52, %sub3A_1201 : vector<16xf32>
      %add3A_1216 = arith.addf %mul3A_1214, %mul3A_1215 : vector<16xf32>
      %mul3A_1217 = arith.mulf %get3A_57, %sub3A_1206 : vector<16xf32>
      %add3A_1218 = arith.addf %add3A_1216, %mul3A_1217 : vector<16xf32>
      %mul3A_1219 = arith.mulf %add3A_1218, %get3A_1105 : vector<16xf32>
      %add3A_1220 = arith.addf %get3A_82, %mul3A_1219 : vector<16xf32>
      %mul3A_1221 = arith.mulf %get3A_62, %sub3A_1195 : vector<16xf32>
      %mul3A_1222 = arith.mulf %get3A_67, %sub3A_1201 : vector<16xf32>
      %add3A_1223 = arith.addf %mul3A_1221, %mul3A_1222 : vector<16xf32>
      %mul3A_1224 = arith.mulf %get3A_72, %sub3A_1206 : vector<16xf32>
      %add3A_1225 = arith.addf %add3A_1223, %mul3A_1224 : vector<16xf32>
      %mul3A_1226 = arith.mulf %add3A_1225, %get3A_1105 : vector<16xf32>
      %add3A_1227 = arith.addf %get3A_87, %mul3A_1226 : vector<16xf32>
      %ge3A_1228 = arith.constant -5.120000e+01 : f32
      %ge3A_1229 = vector.broadcast %ge3A_1228 : f32 to vector<16xf32>
      %ge3A_1230 = arith.cmpf oge, %add3A_1213, %ge3A_1229 : vector<16xf32>
      %lt3A_1231 = arith.constant 5.120000e+01 : f32
      %lt3A_1232 = vector.broadcast %lt3A_1231 : f32 to vector<16xf32>
      %lt3A_1233 = arith.cmpf olt, %add3A_1213, %lt3A_1232 : vector<16xf32>
      %and3A_1234 = arith.andi %ge3A_1230, %lt3A_1233 : vector<16xi1>
      %ge3A_1235 = arith.constant -5.120000e+01 : f32
      %ge3A_1236 = vector.broadcast %ge3A_1235 : f32 to vector<16xf32>
      %ge3A_1237 = arith.cmpf oge, %add3A_1220, %ge3A_1236 : vector<16xf32>
      %and3A_1238 = arith.andi %and3A_1234, %ge3A_1237 : vector<16xi1>
      %lt3A_1239 = arith.constant 5.120000e+01 : f32
      %lt3A_1240 = vector.broadcast %lt3A_1239 : f32 to vector<16xf32>
      %lt3A_1241 = arith.cmpf olt, %add3A_1220, %lt3A_1240 : vector<16xf32>
      %and3A_1242 = arith.andi %and3A_1238, %lt3A_1241 : vector<16xi1>
      %ge3A_1243 = arith.constant -5.000000e+00 : f32
      %ge3A_1244 = vector.broadcast %ge3A_1243 : f32 to vector<16xf32>
      %ge3A_1245 = arith.cmpf oge, %add3A_1227, %ge3A_1244 : vector<16xf32>
      %and3A_1246 = arith.andi %and3A_1242, %ge3A_1245 : vector<16xi1>
      %lt3A_1247 = arith.constant 3.000000e+00 : f32
      %lt3A_1248 = vector.broadcast %lt3A_1247 : f32 to vector<16xf32>
      %lt3A_1249 = arith.cmpf olt, %add3A_1227, %lt3A_1248 : vector<16xf32>
      %and3A_1250 = arith.andi %and3A_1246, %lt3A_1249 : vector<16xi1>
      %sub3A_1251 = arith.constant -5.120000e+01 : f32
      %sub3A_1252 = vector.broadcast %sub3A_1251 : f32 to vector<16xf32>
      %sub3A_1253 = arith.subf %add3A_1213, %sub3A_1252 : vector<16xf32>
      %mul3A_1254 = arith.constant 1.95312488 : f32
      %mul3A_1255 = vector.broadcast %mul3A_1254 : f32 to vector<16xf32>
      %mul3A_1256 = arith.mulf %sub3A_1253, %mul3A_1255 : vector<16xf32>
      %max3A_1257 = arith.constant 0.000000e+00 : f32
      %max3A_1258 = vector.broadcast %max3A_1257 : f32 to vector<16xf32>
      %max3A_1259 = arith.maximumf %mul3A_1256, %max3A_1258 : vector<16xf32>
      %min3A_1260 = arith.minimumf %max3A_1259, %get3A_102 : vector<16xf32>
      %sub3A_1261 = arith.constant -5.120000e+01 : f32
      %sub3A_1262 = vector.broadcast %sub3A_1261 : f32 to vector<16xf32>
      %sub3A_1263 = arith.subf %add3A_1220, %sub3A_1262 : vector<16xf32>
      %mul3A_1264 = arith.constant 1.95312488 : f32
      %mul3A_1265 = vector.broadcast %mul3A_1264 : f32 to vector<16xf32>
      %mul3A_1266 = arith.mulf %sub3A_1263, %mul3A_1265 : vector<16xf32>
      %max3A_1267 = arith.constant 0.000000e+00 : f32
      %max3A_1268 = vector.broadcast %max3A_1267 : f32 to vector<16xf32>
      %max3A_1269 = arith.maximumf %mul3A_1266, %max3A_1268 : vector<16xf32>
      %min3A_1270 = arith.minimumf %max3A_1269, %get3A_107 : vector<16xf32>
      %convert_element_type3A_1271 = arith.fptosi %min3A_1260 : vector<16xf32> to vector<16xi32>
      %convert_element_type3A_1272 = arith.fptosi %min3A_1270 : vector<16xf32> to vector<16xi32>
      %broadcast_in_dim3A_1273 = arith.constant -1 : i32
      %broadcast_in_dim3A_1274 = vector.broadcast %broadcast_in_dim3A_1273 : i32 to vector<16xi32>
      %select_n3A_1275 = arith.select %and3A_1250, %broadcast_in_dim3A_1107, %broadcast_in_dim3A_1109 : vector<16xi1>, vector<16xi32>
      %swap3A_1276 = arith.index_cast %mul3A_1096 : i32 to index
      %swap3A_1277 = tpu.vector_load %arg13[%swap3A_1276] {strides = array<i32>} : memref<3200xi32, #tpu.memory_space<vmem>>, vector<16xi32>,
      %swap3A_1278 = vector.shape_cast %swap3A_1277 : vector<16xi32> to vector<16xi32>
      %swap3A_1279 = vector.shape_cast %select_n3A_1275 : vector<16xi32> to vector<16xi32>
      tpu.vector_store %arg13[%swap3A_1276], %swap3A_1279 {strides = array<i32>} : memref<3200xi32, #tpu.memory_space<vmem>>, vector<16xi32>,
      %select_n3A_1280 = arith.select %and3A_1250, %convert_element_type3A_1272, %broadcast_in_dim3A_1274 : vector<16xi1>, vector<16xi32>
      %swap3A_1281 = arith.index_cast %mul3A_1096 : i32 to index
      %swap3A_1282 = tpu.vector_load %arg14[%swap3A_1281] {strides = array<i32>} : memref<3200xi32, #tpu.memory_space<vmem>>, vector<16xi32>,
      %swap3A_1283 = vector.shape_cast %swap3A_1282 : vector<16xi32> to vector<16xi32>
      %swap3A_1284 = vector.shape_cast %select_n3A_1280 : vector<16xi32> to vector<16xi32>
      tpu.vector_store %arg14[%swap3A_1281], %swap3A_1284 {strides = array<i32>} : memref<3200xi32, #tpu.memory_space<vmem>>, vector<16xi32>,
      %select_n3A_1285 = arith.select %and3A_1250, %convert_element_type3A_1271, %broadcast_in_dim3A_1274 : vector<16xi1>, vector<16xi32>
      %swap3A_1286 = arith.index_cast %mul3A_1096 : i32 to index
      %swap3A_1287 = tpu.vector_load %arg15[%swap3A_1286] {strides = array<i32>} : memref<3200xi32, #tpu.memory_space<vmem>>, vector<16xi32>,
      %swap3A_1288 = vector.shape_cast %swap3A_1287 : vector<16xi32> to vector<16xi32>
      %swap3A_1289 = vector.shape_cast %select_n3A_1285 : vector<16xi32> to vector<16xi32>
      tpu.vector_store %arg15[%swap3A_1286], %swap3A_1289 {strides = array<i32>} : memref<3200xi32, #tpu.memory_space<vmem>>, vector<16xi32>,
      %mul3A_1290 = arith.constant 8 : i32
      %mul3A_1291 = arith.muli %scan3A_8, %mul3A_1290 : i32
      %add3A_1292 = arith.constant 6 : i32
      %add3A_1293 = arith.addi %mul3A_1291, %add3A_1292 : i32
      %mul3A_1294 = arith.constant 16 : i32
      %mul3A_1295 = arith.muli %add3A_1293, %mul3A_1294 : i32
      %get3A_1296 = arith.index_cast %mul3A_1295 : i32 to index
      %get3A_1297 = tpu.vector_load %arg9[%get3A_1296] {strides = array<i32>} : memref<3200xf32, #tpu.memory_space<vmem>>, vector<16xf32>,
      %get3A_1298 = vector.shape_cast %get3A_1297 : vector<16xf32> to vector<16xf32>
      %get3A_1299 = arith.index_cast %mul3A_1295 : i32 to index
      %get3A_1300 = tpu.vector_load %arg10[%get3A_1299] {strides = array<i32>} : memref<3200xf32, #tpu.memory_space<vmem>>, vector<16xf32>,
      %get3A_1301 = vector.shape_cast %get3A_1300 : vector<16xf32> to vector<16xf32>
      %get3A_1302 = arith.index_cast %mul3A_1295 : i32 to index
      %get3A_1303 = tpu.vector_load %arg11[%get3A_1302] {strides = array<i32>} : memref<3200xf32, #tpu.memory_space<vmem>>, vector<16xf32>,
      %get3A_1304 = vector.shape_cast %get3A_1303 : vector<16xf32> to vector<16xf32>
      %broadcast_in_dim3A_1305 = arith.constant 1 : i32
      %broadcast_in_dim3A_1306 = vector.broadcast %broadcast_in_dim3A_1305 : i32 to vector<16xi32>
      %broadcast_in_dim3A_1307 = arith.constant 0 : i32
      %broadcast_in_dim3A_1308 = vector.broadcast %broadcast_in_dim3A_1307 : i32 to vector<16xi32>
      %add3A_1309 = arith.constant 5.000000e-01 : f32
      %add3A_1310 = vector.broadcast %add3A_1309 : f32 to vector<16xf32>
      %add3A_1311 = arith.addf %get3A_1298, %add3A_1310 : vector<16xf32>
      %add3A_1312 = arith.constant 5.000000e-01 : f32
      %add3A_1313 = vector.broadcast %add3A_1312 : f32 to vector<16xf32>
      %add3A_1314 = arith.addf %get3A_1301, %add3A_1313 : vector<16xf32>
      %convert_element_type3A_1315 = arith.fptosi %add3A_1311 : vector<16xf32> to vector<16xi32>
      %convert_element_type3A_1316 = arith.fptosi %add3A_1314 : vector<16xf32> to vector<16xi32>
      %convert_element_type3A_1317 = arith.sitofp %convert_element_type3A_1315 : vector<16xi32> to vector<16xf32>
      %eq3A_1318 = arith.cmpf oeq, %convert_element_type3A_1317, %add3A_1311 : vector<16xf32>
      %and3A_1319 = arith.constant 1 : i32
      %and3A_1320 = vector.broadcast %and3A_1319 : i32 to vector<16xi32>
      %and3A_1321 = arith.andi %convert_element_type3A_1315, %and3A_1320 : vector<16xi32>
      %eq3A_1322 = arith.constant 1 : i32
      %eq3A_1323 = vector.broadcast %eq3A_1322 : i32 to vector<16xi32>
      %eq3A_1324 = arith.cmpi eq, %and3A_1321, %eq3A_1323 : vector<16xi32>
      %and3A_1325 = arith.andi %eq3A_1318, %eq3A_1324 : vector<16xi1>
      %convert_element_type3A_1326 = arith.sitofp %convert_element_type3A_1316 : vector<16xi32> to vector<16xf32>
      %eq3A_1327 = arith.cmpf oeq, %convert_element_type3A_1326, %add3A_1314 : vector<16xf32>
      %and3A_1328 = arith.constant 1 : i32
      %and3A_1329 = vector.broadcast %and3A_1328 : i32 to vector<16xi32>
      %and3A_1330 = arith.andi %convert_element_type3A_1316, %and3A_1329 : vector<16xi32>
      %eq3A_1331 = arith.constant 1 : i32
      %eq3A_1332 = vector.broadcast %eq3A_1331 : i32 to vector<16xi32>
      %eq3A_1333 = arith.cmpi eq, %and3A_1330, %eq3A_1332 : vector<16xi32>
      %and3A_1334 = arith.andi %eq3A_1327, %eq3A_1333 : vector<16xi1>
      %select_n3A_1335 = arith.select %and3A_1325, %broadcast_in_dim3A_1306, %broadcast_in_dim3A_1308 : vector<16xi1>, vector<16xi32>
      %sub3A_1336 = arith.subi %convert_element_type3A_1315, %select_n3A_1335 : vector<16xi32>
      %select_n3A_1337 = arith.select %and3A_1334, %broadcast_in_dim3A_1306, %broadcast_in_dim3A_1308 : vector<16xi1>, vector<16xi32>
      %sub3A_1338 = arith.subi %convert_element_type3A_1316, %select_n3A_1337 : vector<16xi32>
      %convert_element_type3A_1339 = arith.sitofp %sub3A_1336 : vector<16xi32> to vector<16xf32>
      %max3A_1340 = arith.constant 0.000000e+00 : f32
      %max3A_1341 = vector.broadcast %max3A_1340 : f32 to vector<16xf32>
      %max3A_1342 = arith.maximumf %convert_element_type3A_1339, %max3A_1341 : vector<16xf32>
      %min3A_1343 = arith.minimumf %max3A_1342, %get3A_92 : vector<16xf32>
      %convert_element_type3A_1344 = arith.sitofp %sub3A_1338 : vector<16xi32> to vector<16xf32>
      %max3A_1345 = arith.constant 0.000000e+00 : f32
      %max3A_1346 = vector.broadcast %max3A_1345 : f32 to vector<16xf32>
      %max3A_1347 = arith.maximumf %convert_element_type3A_1344, %max3A_1346 : vector<16xf32>
      %min3A_1348 = arith.minimumf %max3A_1347, %get3A_97 : vector<16xf32>
      %sub3A_1349 = arith.subf %min3A_1343, %get3A_12 : vector<16xf32>
      %mul3A_1350 = arith.mulf %sub3A_1349, %get3A_22 : vector<16xf32>
      %sub3A_1351 = arith.subf %min3A_1348, %get3A_17 : vector<16xf32>
      %mul3A_1352 = arith.mulf %sub3A_1351, %get3A_27 : vector<16xf32>
      %mul3A_1353 = arith.mulf %mul3A_1350, %mul3A_1350 : vector<16xf32>
      %mul3A_1354 = arith.mulf %mul3A_1352, %mul3A_1352 : vector<16xf32>
      %add3A_1355 = arith.addf %mul3A_1353, %mul3A_1354 : vector<16xf32>
      %add3A_1356 = arith.constant 1.000000e+00 : f32
      %add3A_1357 = vector.broadcast %add3A_1356 : f32 to vector<16xf32>
      %add3A_1358 = arith.addf %add3A_1355, %add3A_1357 : vector<16xf32>
      %mul3A_1359 = arith.constant 5.000000e-01 : f32
      %mul3A_1360 = vector.broadcast %mul3A_1359 : f32 to vector<16xf32>
      %mul3A_1361 = arith.mulf %mul3A_1360, %add3A_1358 : vector<16xf32>
      %div3A_1362 = arith.constant 1.000000e+00 : f32
      %div3A_1363 = vector.broadcast %div3A_1362 : f32 to vector<16xf32>
      %div3A_1364 = arith.divf %div3A_1363, %add3A_1358 : vector<16xf32>
      %mul3A_1365 = arith.mulf %mul3A_1361, %div3A_1364 : vector<16xf32>
      %mul3A_1366 = arith.mulf %mul3A_1365, %div3A_1364 : vector<16xf32>
      %sub3A_1367 = arith.constant 1.500000e+00 : f32
      %sub3A_1368 = vector.broadcast %sub3A_1367 : f32 to vector<16xf32>
      %sub3A_1369 = arith.subf %sub3A_1368, %mul3A_1366 : vector<16xf32>
      %mul3A_1370 = arith.mulf %div3A_1364, %sub3A_1369 : vector<16xf32>
      %mul3A_1371 = arith.mulf %mul3A_1361, %mul3A_1370 : vector<16xf32>
      %mul3A_1372 = arith.mulf %mul3A_1371, %mul3A_1370 : vector<16xf32>
      %sub3A_1373 = arith.constant 1.500000e+00 : f32
      %sub3A_1374 = vector.broadcast %sub3A_1373 : f32 to vector<16xf32>
      %sub3A_1375 = arith.subf %sub3A_1374, %mul3A_1372 : vector<16xf32>
      %mul3A_1376 = arith.mulf %mul3A_1370, %sub3A_1375 : vector<16xf32>
      %mul3A_1377 = arith.mulf %mul3A_1361, %mul3A_1376 : vector<16xf32>
      %mul3A_1378 = arith.mulf %mul3A_1377, %mul3A_1376 : vector<16xf32>
      %sub3A_1379 = arith.constant 1.500000e+00 : f32
      %sub3A_1380 = vector.broadcast %sub3A_1379 : f32 to vector<16xf32>
      %sub3A_1381 = arith.subf %sub3A_1380, %mul3A_1378 : vector<16xf32>
      %mul3A_1382 = arith.mulf %mul3A_1376, %sub3A_1381 : vector<16xf32>
      %mul3A_1383 = arith.mulf %mul3A_1361, %mul3A_1382 : vector<16xf32>
      %mul3A_1384 = arith.mulf %mul3A_1383, %mul3A_1382 : vector<16xf32>
      %sub3A_1385 = arith.constant 1.500000e+00 : f32
      %sub3A_1386 = vector.broadcast %sub3A_1385 : f32 to vector<16xf32>
      %sub3A_1387 = arith.subf %sub3A_1386, %mul3A_1384 : vector<16xf32>
      %mul3A_1388 = arith.mulf %mul3A_1382, %sub3A_1387 : vector<16xf32>
      %mul3A_1389 = arith.mulf %mul3A_1350, %mul3A_1388 : vector<16xf32>
      %mul3A_1390 = arith.constant 6.553700e+04 : f32
      %mul3A_1391 = vector.broadcast %mul3A_1390 : f32 to vector<16xf32>
      %mul3A_1392 = arith.mulf %mul3A_1389, %mul3A_1391 : vector<16xf32>
      %sub3A_1393 = arith.subf %mul3A_1392, %mul3A_1389 : vector<16xf32>
      %sub3A_1394 = arith.subf %mul3A_1392, %sub3A_1393 : vector<16xf32>
      %mul3A_1395 = arith.mulf %mul3A_1352, %mul3A_1388 : vector<16xf32>
      %mul3A_1396 = arith.constant 6.553700e+04 : f32
      %mul3A_1397 = vector.broadcast %mul3A_1396 : f32 to vector<16xf32>
      %mul3A_1398 = arith.mulf %mul3A_1395, %mul3A_1397 : vector<16xf32>
      %sub3A_1399 = arith.subf %mul3A_1398, %mul3A_1395 : vector<16xf32>
      %sub3A_1400 = arith.subf %mul3A_1398, %sub3A_1399 : vector<16xf32>
      %mul3A_1401 = arith.constant 6.553700e+04 : f32
      %mul3A_1402 = vector.broadcast %mul3A_1401 : f32 to vector<16xf32>
      %mul3A_1403 = arith.mulf %mul3A_1388, %mul3A_1402 : vector<16xf32>
      %sub3A_1404 = arith.subf %mul3A_1403, %mul3A_1388 : vector<16xf32>
      %sub3A_1405 = arith.subf %mul3A_1403, %sub3A_1404 : vector<16xf32>
      %mul3A_1406 = arith.mulf %get3A_32, %sub3A_1394 : vector<16xf32>
      %mul3A_1407 = arith.mulf %get3A_37, %sub3A_1400 : vector<16xf32>
      %add3A_1408 = arith.addf %mul3A_1406, %mul3A_1407 : vector<16xf32>
      %mul3A_1409 = arith.mulf %get3A_42, %sub3A_1405 : vector<16xf32>
      %add3A_1410 = arith.addf %add3A_1408, %mul3A_1409 : vector<16xf32>
      %mul3A_1411 = arith.mulf %add3A_1410, %get3A_1304 : vector<16xf32>
      %add3A_1412 = arith.addf %get3A_77, %mul3A_1411 : vector<16xf32>
      %mul3A_1413 = arith.mulf %get3A_47, %sub3A_1394 : vector<16xf32>
      %mul3A_1414 = arith.mulf %get3A_52, %sub3A_1400 : vector<16xf32>
      %add3A_1415 = arith.addf %mul3A_1413, %mul3A_1414 : vector<16xf32>
      %mul3A_1416 = arith.mulf %get3A_57, %sub3A_1405 : vector<16xf32>
      %add3A_1417 = arith.addf %add3A_1415, %mul3A_1416 : vector<16xf32>
      %mul3A_1418 = arith.mulf %add3A_1417, %get3A_1304 : vector<16xf32>
      %add3A_1419 = arith.addf %get3A_82, %mul3A_1418 : vector<16xf32>
      %mul3A_1420 = arith.mulf %get3A_62, %sub3A_1394 : vector<16xf32>
      %mul3A_1421 = arith.mulf %get3A_67, %sub3A_1400 : vector<16xf32>
      %add3A_1422 = arith.addf %mul3A_1420, %mul3A_1421 : vector<16xf32>
      %mul3A_1423 = arith.mulf %get3A_72, %sub3A_1405 : vector<16xf32>
      %add3A_1424 = arith.addf %add3A_1422, %mul3A_1423 : vector<16xf32>
      %mul3A_1425 = arith.mulf %add3A_1424, %get3A_1304 : vector<16xf32>
      %add3A_1426 = arith.addf %get3A_87, %mul3A_1425 : vector<16xf32>
      %ge3A_1427 = arith.constant -5.120000e+01 : f32
      %ge3A_1428 = vector.broadcast %ge3A_1427 : f32 to vector<16xf32>
      %ge3A_1429 = arith.cmpf oge, %add3A_1412, %ge3A_1428 : vector<16xf32>
      %lt3A_1430 = arith.constant 5.120000e+01 : f32
      %lt3A_1431 = vector.broadcast %lt3A_1430 : f32 to vector<16xf32>
      %lt3A_1432 = arith.cmpf olt, %add3A_1412, %lt3A_1431 : vector<16xf32>
      %and3A_1433 = arith.andi %ge3A_1429, %lt3A_1432 : vector<16xi1>
      %ge3A_1434 = arith.constant -5.120000e+01 : f32
      %ge3A_1435 = vector.broadcast %ge3A_1434 : f32 to vector<16xf32>
      %ge3A_1436 = arith.cmpf oge, %add3A_1419, %ge3A_1435 : vector<16xf32>
      %and3A_1437 = arith.andi %and3A_1433, %ge3A_1436 : vector<16xi1>
      %lt3A_1438 = arith.constant 5.120000e+01 : f32
      %lt3A_1439 = vector.broadcast %lt3A_1438 : f32 to vector<16xf32>
      %lt3A_1440 = arith.cmpf olt, %add3A_1419, %lt3A_1439 : vector<16xf32>
      %and3A_1441 = arith.andi %and3A_1437, %lt3A_1440 : vector<16xi1>
      %ge3A_1442 = arith.constant -5.000000e+00 : f32
      %ge3A_1443 = vector.broadcast %ge3A_1442 : f32 to vector<16xf32>
      %ge3A_1444 = arith.cmpf oge, %add3A_1426, %ge3A_1443 : vector<16xf32>
      %and3A_1445 = arith.andi %and3A_1441, %ge3A_1444 : vector<16xi1>
      %lt3A_1446 = arith.constant 3.000000e+00 : f32
      %lt3A_1447 = vector.broadcast %lt3A_1446 : f32 to vector<16xf32>
      %lt3A_1448 = arith.cmpf olt, %add3A_1426, %lt3A_1447 : vector<16xf32>
      %and3A_1449 = arith.andi %and3A_1445, %lt3A_1448 : vector<16xi1>
      %sub3A_1450 = arith.constant -5.120000e+01 : f32
      %sub3A_1451 = vector.broadcast %sub3A_1450 : f32 to vector<16xf32>
      %sub3A_1452 = arith.subf %add3A_1412, %sub3A_1451 : vector<16xf32>
      %mul3A_1453 = arith.constant 1.95312488 : f32
      %mul3A_1454 = vector.broadcast %mul3A_1453 : f32 to vector<16xf32>
      %mul3A_1455 = arith.mulf %sub3A_1452, %mul3A_1454 : vector<16xf32>
      %max3A_1456 = arith.constant 0.000000e+00 : f32
      %max3A_1457 = vector.broadcast %max3A_1456 : f32 to vector<16xf32>
      %max3A_1458 = arith.maximumf %mul3A_1455, %max3A_1457 : vector<16xf32>
      %min3A_1459 = arith.minimumf %max3A_1458, %get3A_102 : vector<16xf32>
      %sub3A_1460 = arith.constant -5.120000e+01 : f32
      %sub3A_1461 = vector.broadcast %sub3A_1460 : f32 to vector<16xf32>
      %sub3A_1462 = arith.subf %add3A_1419, %sub3A_1461 : vector<16xf32>
      %mul3A_1463 = arith.constant 1.95312488 : f32
      %mul3A_1464 = vector.broadcast %mul3A_1463 : f32 to vector<16xf32>
      %mul3A_1465 = arith.mulf %sub3A_1462, %mul3A_1464 : vector<16xf32>
      %max3A_1466 = arith.constant 0.000000e+00 : f32
      %max3A_1467 = vector.broadcast %max3A_1466 : f32 to vector<16xf32>
      %max3A_1468 = arith.maximumf %mul3A_1465, %max3A_1467 : vector<16xf32>
      %min3A_1469 = arith.minimumf %max3A_1468, %get3A_107 : vector<16xf32>
      %convert_element_type3A_1470 = arith.fptosi %min3A_1459 : vector<16xf32> to vector<16xi32>
      %convert_element_type3A_1471 = arith.fptosi %min3A_1469 : vector<16xf32> to vector<16xi32>
      %broadcast_in_dim3A_1472 = arith.constant -1 : i32
      %broadcast_in_dim3A_1473 = vector.broadcast %broadcast_in_dim3A_1472 : i32 to vector<16xi32>
      %select_n3A_1474 = arith.select %and3A_1449, %broadcast_in_dim3A_1306, %broadcast_in_dim3A_1308 : vector<16xi1>, vector<16xi32>
      %swap3A_1475 = arith.index_cast %mul3A_1295 : i32 to index
      %swap3A_1476 = tpu.vector_load %arg13[%swap3A_1475] {strides = array<i32>} : memref<3200xi32, #tpu.memory_space<vmem>>, vector<16xi32>,
      %swap3A_1477 = vector.shape_cast %swap3A_1476 : vector<16xi32> to vector<16xi32>
      %swap3A_1478 = vector.shape_cast %select_n3A_1474 : vector<16xi32> to vector<16xi32>
      tpu.vector_store %arg13[%swap3A_1475], %swap3A_1478 {strides = array<i32>} : memref<3200xi32, #tpu.memory_space<vmem>>, vector<16xi32>,
      %select_n3A_1479 = arith.select %and3A_1449, %convert_element_type3A_1471, %broadcast_in_dim3A_1473 : vector<16xi1>, vector<16xi32>
      %swap3A_1480 = arith.index_cast %mul3A_1295 : i32 to index
      %swap3A_1481 = tpu.vector_load %arg14[%swap3A_1480] {strides = array<i32>} : memref<3200xi32, #tpu.memory_space<vmem>>, vector<16xi32>,
      %swap3A_1482 = vector.shape_cast %swap3A_1481 : vector<16xi32> to vector<16xi32>
      %swap3A_1483 = vector.shape_cast %select_n3A_1479 : vector<16xi32> to vector<16xi32>
      tpu.vector_store %arg14[%swap3A_1480], %swap3A_1483 {strides = array<i32>} : memref<3200xi32, #tpu.memory_space<vmem>>, vector<16xi32>,
      %select_n3A_1484 = arith.select %and3A_1449, %convert_element_type3A_1470, %broadcast_in_dim3A_1473 : vector<16xi1>, vector<16xi32>
      %swap3A_1485 = arith.index_cast %mul3A_1295 : i32 to index
      %swap3A_1486 = tpu.vector_load %arg15[%swap3A_1485] {strides = array<i32>} : memref<3200xi32, #tpu.memory_space<vmem>>, vector<16xi32>,
      %swap3A_1487 = vector.shape_cast %swap3A_1486 : vector<16xi32> to vector<16xi32>
      %swap3A_1488 = vector.shape_cast %select_n3A_1484 : vector<16xi32> to vector<16xi32>
      tpu.vector_store %arg15[%swap3A_1485], %swap3A_1488 {strides = array<i32>} : memref<3200xi32, #tpu.memory_space<vmem>>, vector<16xi32>,
      %mul3A_1489 = arith.constant 8 : i32
      %mul3A_1490 = arith.muli %scan3A_8, %mul3A_1489 : i32
      %add3A_1491 = arith.constant 7 : i32
      %add3A_1492 = arith.addi %mul3A_1490, %add3A_1491 : i32
      %mul3A_1493 = arith.constant 16 : i32
      %mul3A_1494 = arith.muli %add3A_1492, %mul3A_1493 : i32
      %get3A_1495 = arith.index_cast %mul3A_1494 : i32 to index
      %get3A_1496 = tpu.vector_load %arg9[%get3A_1495] {strides = array<i32>} : memref<3200xf32, #tpu.memory_space<vmem>>, vector<16xf32>,
      %get3A_1497 = vector.shape_cast %get3A_1496 : vector<16xf32> to vector<16xf32>
      %get3A_1498 = arith.index_cast %mul3A_1494 : i32 to index
      %get3A_1499 = tpu.vector_load %arg10[%get3A_1498] {strides = array<i32>} : memref<3200xf32, #tpu.memory_space<vmem>>, vector<16xf32>,
      %get3A_1500 = vector.shape_cast %get3A_1499 : vector<16xf32> to vector<16xf32>
      %get3A_1501 = arith.index_cast %mul3A_1494 : i32 to index
      %get3A_1502 = tpu.vector_load %arg11[%get3A_1501] {strides = array<i32>} : memref<3200xf32, #tpu.memory_space<vmem>>, vector<16xf32>,
      %get3A_1503 = vector.shape_cast %get3A_1502 : vector<16xf32> to vector<16xf32>
      %broadcast_in_dim3A_1504 = arith.constant 1 : i32
      %broadcast_in_dim3A_1505 = vector.broadcast %broadcast_in_dim3A_1504 : i32 to vector<16xi32>
      %broadcast_in_dim3A_1506 = arith.constant 0 : i32
      %broadcast_in_dim3A_1507 = vector.broadcast %broadcast_in_dim3A_1506 : i32 to vector<16xi32>
      %add3A_1508 = arith.constant 5.000000e-01 : f32
      %add3A_1509 = vector.broadcast %add3A_1508 : f32 to vector<16xf32>
      %add3A_1510 = arith.addf %get3A_1497, %add3A_1509 : vector<16xf32>
      %add3A_1511 = arith.constant 5.000000e-01 : f32
      %add3A_1512 = vector.broadcast %add3A_1511 : f32 to vector<16xf32>
      %add3A_1513 = arith.addf %get3A_1500, %add3A_1512 : vector<16xf32>
      %convert_element_type3A_1514 = arith.fptosi %add3A_1510 : vector<16xf32> to vector<16xi32>
      %convert_element_type3A_1515 = arith.fptosi %add3A_1513 : vector<16xf32> to vector<16xi32>
      %convert_element_type3A_1516 = arith.sitofp %convert_element_type3A_1514 : vector<16xi32> to vector<16xf32>
      %eq3A_1517 = arith.cmpf oeq, %convert_element_type3A_1516, %add3A_1510 : vector<16xf32>
      %and3A_1518 = arith.constant 1 : i32
      %and3A_1519 = vector.broadcast %and3A_1518 : i32 to vector<16xi32>
      %and3A_1520 = arith.andi %convert_element_type3A_1514, %and3A_1519 : vector<16xi32>
      %eq3A_1521 = arith.constant 1 : i32
      %eq3A_1522 = vector.broadcast %eq3A_1521 : i32 to vector<16xi32>
      %eq3A_1523 = arith.cmpi eq, %and3A_1520, %eq3A_1522 : vector<16xi32>
      %and3A_1524 = arith.andi %eq3A_1517, %eq3A_1523 : vector<16xi1>
      %convert_element_type3A_1525 = arith.sitofp %convert_element_type3A_1515 : vector<16xi32> to vector<16xf32>
      %eq3A_1526 = arith.cmpf oeq, %convert_element_type3A_1525, %add3A_1513 : vector<16xf32>
      %and3A_1527 = arith.constant 1 : i32
      %and3A_1528 = vector.broadcast %and3A_1527 : i32 to vector<16xi32>
      %and3A_1529 = arith.andi %convert_element_type3A_1515, %and3A_1528 : vector<16xi32>
      %eq3A_1530 = arith.constant 1 : i32
      %eq3A_1531 = vector.broadcast %eq3A_1530 : i32 to vector<16xi32>
      %eq3A_1532 = arith.cmpi eq, %and3A_1529, %eq3A_1531 : vector<16xi32>
      %and3A_1533 = arith.andi %eq3A_1526, %eq3A_1532 : vector<16xi1>
      %select_n3A_1534 = arith.select %and3A_1524, %broadcast_in_dim3A_1505, %broadcast_in_dim3A_1507 : vector<16xi1>, vector<16xi32>
      %sub3A_1535 = arith.subi %convert_element_type3A_1514, %select_n3A_1534 : vector<16xi32>
      %select_n3A_1536 = arith.select %and3A_1533, %broadcast_in_dim3A_1505, %broadcast_in_dim3A_1507 : vector<16xi1>, vector<16xi32>
      %sub3A_1537 = arith.subi %convert_element_type3A_1515, %select_n3A_1536 : vector<16xi32>
      %convert_element_type3A_1538 = arith.sitofp %sub3A_1535 : vector<16xi32> to vector<16xf32>
      %max3A_1539 = arith.constant 0.000000e+00 : f32
      %max3A_1540 = vector.broadcast %max3A_1539 : f32 to vector<16xf32>
      %max3A_1541 = arith.maximumf %convert_element_type3A_1538, %max3A_1540 : vector<16xf32>
      %min3A_1542 = arith.minimumf %max3A_1541, %get3A_92 : vector<16xf32>
      %convert_element_type3A_1543 = arith.sitofp %sub3A_1537 : vector<16xi32> to vector<16xf32>
      %max3A_1544 = arith.constant 0.000000e+00 : f32
      %max3A_1545 = vector.broadcast %max3A_1544 : f32 to vector<16xf32>
      %max3A_1546 = arith.maximumf %convert_element_type3A_1543, %max3A_1545 : vector<16xf32>
      %min3A_1547 = arith.minimumf %max3A_1546, %get3A_97 : vector<16xf32>
      %sub3A_1548 = arith.subf %min3A_1542, %get3A_12 : vector<16xf32>
      %mul3A_1549 = arith.mulf %sub3A_1548, %get3A_22 : vector<16xf32>
      %sub3A_1550 = arith.subf %min3A_1547, %get3A_17 : vector<16xf32>
      %mul3A_1551 = arith.mulf %sub3A_1550, %get3A_27 : vector<16xf32>
      %mul3A_1552 = arith.mulf %mul3A_1549, %mul3A_1549 : vector<16xf32>
      %mul3A_1553 = arith.mulf %mul3A_1551, %mul3A_1551 : vector<16xf32>
      %add3A_1554 = arith.addf %mul3A_1552, %mul3A_1553 : vector<16xf32>
      %add3A_1555 = arith.constant 1.000000e+00 : f32
      %add3A_1556 = vector.broadcast %add3A_1555 : f32 to vector<16xf32>
      %add3A_1557 = arith.addf %add3A_1554, %add3A_1556 : vector<16xf32>
      %mul3A_1558 = arith.constant 5.000000e-01 : f32
      %mul3A_1559 = vector.broadcast %mul3A_1558 : f32 to vector<16xf32>
      %mul3A_1560 = arith.mulf %mul3A_1559, %add3A_1557 : vector<16xf32>
      %div3A_1561 = arith.constant 1.000000e+00 : f32
      %div3A_1562 = vector.broadcast %div3A_1561 : f32 to vector<16xf32>
      %div3A_1563 = arith.divf %div3A_1562, %add3A_1557 : vector<16xf32>
      %mul3A_1564 = arith.mulf %mul3A_1560, %div3A_1563 : vector<16xf32>
      %mul3A_1565 = arith.mulf %mul3A_1564, %div3A_1563 : vector<16xf32>
      %sub3A_1566 = arith.constant 1.500000e+00 : f32
      %sub3A_1567 = vector.broadcast %sub3A_1566 : f32 to vector<16xf32>
      %sub3A_1568 = arith.subf %sub3A_1567, %mul3A_1565 : vector<16xf32>
      %mul3A_1569 = arith.mulf %div3A_1563, %sub3A_1568 : vector<16xf32>
      %mul3A_1570 = arith.mulf %mul3A_1560, %mul3A_1569 : vector<16xf32>
      %mul3A_1571 = arith.mulf %mul3A_1570, %mul3A_1569 : vector<16xf32>
      %sub3A_1572 = arith.constant 1.500000e+00 : f32
      %sub3A_1573 = vector.broadcast %sub3A_1572 : f32 to vector<16xf32>
      %sub3A_1574 = arith.subf %sub3A_1573, %mul3A_1571 : vector<16xf32>
      %mul3A_1575 = arith.mulf %mul3A_1569, %sub3A_1574 : vector<16xf32>
      %mul3A_1576 = arith.mulf %mul3A_1560, %mul3A_1575 : vector<16xf32>
      %mul3A_1577 = arith.mulf %mul3A_1576, %mul3A_1575 : vector<16xf32>
      %sub3A_1578 = arith.constant 1.500000e+00 : f32
      %sub3A_1579 = vector.broadcast %sub3A_1578 : f32 to vector<16xf32>
      %sub3A_1580 = arith.subf %sub3A_1579, %mul3A_1577 : vector<16xf32>
      %mul3A_1581 = arith.mulf %mul3A_1575, %sub3A_1580 : vector<16xf32>
      %mul3A_1582 = arith.mulf %mul3A_1560, %mul3A_1581 : vector<16xf32>
      %mul3A_1583 = arith.mulf %mul3A_1582, %mul3A_1581 : vector<16xf32>
      %sub3A_1584 = arith.constant 1.500000e+00 : f32
      %sub3A_1585 = vector.broadcast %sub3A_1584 : f32 to vector<16xf32>
      %sub3A_1586 = arith.subf %sub3A_1585, %mul3A_1583 : vector<16xf32>
      %mul3A_1587 = arith.mulf %mul3A_1581, %sub3A_1586 : vector<16xf32>
      %mul3A_1588 = arith.mulf %mul3A_1549, %mul3A_1587 : vector<16xf32>
      %mul3A_1589 = arith.constant 6.553700e+04 : f32
      %mul3A_1590 = vector.broadcast %mul3A_1589 : f32 to vector<16xf32>
      %mul3A_1591 = arith.mulf %mul3A_1588, %mul3A_1590 : vector<16xf32>
      %sub3A_1592 = arith.subf %mul3A_1591, %mul3A_1588 : vector<16xf32>
      %sub3A_1593 = arith.subf %mul3A_1591, %sub3A_1592 : vector<16xf32>
      %mul3A_1594 = arith.mulf %mul3A_1551, %mul3A_1587 : vector<16xf32>
      %mul3A_1595 = arith.constant 6.553700e+04 : f32
      %mul3A_1596 = vector.broadcast %mul3A_1595 : f32 to vector<16xf32>
      %mul3A_1597 = arith.mulf %mul3A_1594, %mul3A_1596 : vector<16xf32>
      %sub3A_1598 = arith.subf %mul3A_1597, %mul3A_1594 : vector<16xf32>
      %sub3A_1599 = arith.subf %mul3A_1597, %sub3A_1598 : vector<16xf32>
      %mul3A_1600 = arith.constant 6.553700e+04 : f32
      %mul3A_1601 = vector.broadcast %mul3A_1600 : f32 to vector<16xf32>
      %mul3A_1602 = arith.mulf %mul3A_1587, %mul3A_1601 : vector<16xf32>
      %sub3A_1603 = arith.subf %mul3A_1602, %mul3A_1587 : vector<16xf32>
      %sub3A_1604 = arith.subf %mul3A_1602, %sub3A_1603 : vector<16xf32>
      %mul3A_1605 = arith.mulf %get3A_32, %sub3A_1593 : vector<16xf32>
      %mul3A_1606 = arith.mulf %get3A_37, %sub3A_1599 : vector<16xf32>
      %add3A_1607 = arith.addf %mul3A_1605, %mul3A_1606 : vector<16xf32>
      %mul3A_1608 = arith.mulf %get3A_42, %sub3A_1604 : vector<16xf32>
      %add3A_1609 = arith.addf %add3A_1607, %mul3A_1608 : vector<16xf32>
      %mul3A_1610 = arith.mulf %add3A_1609, %get3A_1503 : vector<16xf32>
      %add3A_1611 = arith.addf %get3A_77, %mul3A_1610 : vector<16xf32>
      %mul3A_1612 = arith.mulf %get3A_47, %sub3A_1593 : vector<16xf32>
      %mul3A_1613 = arith.mulf %get3A_52, %sub3A_1599 : vector<16xf32>
      %add3A_1614 = arith.addf %mul3A_1612, %mul3A_1613 : vector<16xf32>
      %mul3A_1615 = arith.mulf %get3A_57, %sub3A_1604 : vector<16xf32>
      %add3A_1616 = arith.addf %add3A_1614, %mul3A_1615 : vector<16xf32>
      %mul3A_1617 = arith.mulf %add3A_1616, %get3A_1503 : vector<16xf32>
      %add3A_1618 = arith.addf %get3A_82, %mul3A_1617 : vector<16xf32>
      %mul3A_1619 = arith.mulf %get3A_62, %sub3A_1593 : vector<16xf32>
      %mul3A_1620 = arith.mulf %get3A_67, %sub3A_1599 : vector<16xf32>
      %add3A_1621 = arith.addf %mul3A_1619, %mul3A_1620 : vector<16xf32>
      %mul3A_1622 = arith.mulf %get3A_72, %sub3A_1604 : vector<16xf32>
      %add3A_1623 = arith.addf %add3A_1621, %mul3A_1622 : vector<16xf32>
      %mul3A_1624 = arith.mulf %add3A_1623, %get3A_1503 : vector<16xf32>
      %add3A_1625 = arith.addf %get3A_87, %mul3A_1624 : vector<16xf32>
      %ge3A_1626 = arith.constant -5.120000e+01 : f32
      %ge3A_1627 = vector.broadcast %ge3A_1626 : f32 to vector<16xf32>
      %ge3A_1628 = arith.cmpf oge, %add3A_1611, %ge3A_1627 : vector<16xf32>
      %lt3A_1629 = arith.constant 5.120000e+01 : f32
      %lt3A_1630 = vector.broadcast %lt3A_1629 : f32 to vector<16xf32>
      %lt3A_1631 = arith.cmpf olt, %add3A_1611, %lt3A_1630 : vector<16xf32>
      %and3A_1632 = arith.andi %ge3A_1628, %lt3A_1631 : vector<16xi1>
      %ge3A_1633 = arith.constant -5.120000e+01 : f32
      %ge3A_1634 = vector.broadcast %ge3A_1633 : f32 to vector<16xf32>
      %ge3A_1635 = arith.cmpf oge, %add3A_1618, %ge3A_1634 : vector<16xf32>
      %and3A_1636 = arith.andi %and3A_1632, %ge3A_1635 : vector<16xi1>
      %lt3A_1637 = arith.constant 5.120000e+01 : f32
      %lt3A_1638 = vector.broadcast %lt3A_1637 : f32 to vector<16xf32>
      %lt3A_1639 = arith.cmpf olt, %add3A_1618, %lt3A_1638 : vector<16xf32>
      %and3A_1640 = arith.andi %and3A_1636, %lt3A_1639 : vector<16xi1>
      %ge3A_1641 = arith.constant -5.000000e+00 : f32
      %ge3A_1642 = vector.broadcast %ge3A_1641 : f32 to vector<16xf32>
      %ge3A_1643 = arith.cmpf oge, %add3A_1625, %ge3A_1642 : vector<16xf32>
      %and3A_1644 = arith.andi %and3A_1640, %ge3A_1643 : vector<16xi1>
      %lt3A_1645 = arith.constant 3.000000e+00 : f32
      %lt3A_1646 = vector.broadcast %lt3A_1645 : f32 to vector<16xf32>
      %lt3A_1647 = arith.cmpf olt, %add3A_1625, %lt3A_1646 : vector<16xf32>
      %and3A_1648 = arith.andi %and3A_1644, %lt3A_1647 : vector<16xi1>
      %sub3A_1649 = arith.constant -5.120000e+01 : f32
      %sub3A_1650 = vector.broadcast %sub3A_1649 : f32 to vector<16xf32>
      %sub3A_1651 = arith.subf %add3A_1611, %sub3A_1650 : vector<16xf32>
      %mul3A_1652 = arith.constant 1.95312488 : f32
      %mul3A_1653 = vector.broadcast %mul3A_1652 : f32 to vector<16xf32>
      %mul3A_1654 = arith.mulf %sub3A_1651, %mul3A_1653 : vector<16xf32>
      %max3A_1655 = arith.constant 0.000000e+00 : f32
      %max3A_1656 = vector.broadcast %max3A_1655 : f32 to vector<16xf32>
      %max3A_1657 = arith.maximumf %mul3A_1654, %max3A_1656 : vector<16xf32>
      %min3A_1658 = arith.minimumf %max3A_1657, %get3A_102 : vector<16xf32>
      %sub3A_1659 = arith.constant -5.120000e+01 : f32
      %sub3A_1660 = vector.broadcast %sub3A_1659 : f32 to vector<16xf32>
      %sub3A_1661 = arith.subf %add3A_1618, %sub3A_1660 : vector<16xf32>
      %mul3A_1662 = arith.constant 1.95312488 : f32
      %mul3A_1663 = vector.broadcast %mul3A_1662 : f32 to vector<16xf32>
      %mul3A_1664 = arith.mulf %sub3A_1661, %mul3A_1663 : vector<16xf32>
      %max3A_1665 = arith.constant 0.000000e+00 : f32
      %max3A_1666 = vector.broadcast %max3A_1665 : f32 to vector<16xf32>
      %max3A_1667 = arith.maximumf %mul3A_1664, %max3A_1666 : vector<16xf32>
      %min3A_1668 = arith.minimumf %max3A_1667, %get3A_107 : vector<16xf32>
      %convert_element_type3A_1669 = arith.fptosi %min3A_1658 : vector<16xf32> to vector<16xi32>
      %convert_element_type3A_1670 = arith.fptosi %min3A_1668 : vector<16xf32> to vector<16xi32>
      %broadcast_in_dim3A_1671 = arith.constant -1 : i32
      %broadcast_in_dim3A_1672 = vector.broadcast %broadcast_in_dim3A_1671 : i32 to vector<16xi32>
      %select_n3A_1673 = arith.select %and3A_1648, %broadcast_in_dim3A_1505, %broadcast_in_dim3A_1507 : vector<16xi1>, vector<16xi32>
      %swap3A_1674 = arith.index_cast %mul3A_1494 : i32 to index
      %swap3A_1675 = tpu.vector_load %arg13[%swap3A_1674] {strides = array<i32>} : memref<3200xi32, #tpu.memory_space<vmem>>, vector<16xi32>,
      %swap3A_1676 = vector.shape_cast %swap3A_1675 : vector<16xi32> to vector<16xi32>
      %swap3A_1677 = vector.shape_cast %select_n3A_1673 : vector<16xi32> to vector<16xi32>
      tpu.vector_store %arg13[%swap3A_1674], %swap3A_1677 {strides = array<i32>} : memref<3200xi32, #tpu.memory_space<vmem>>, vector<16xi32>,
      %select_n3A_1678 = arith.select %and3A_1648, %convert_element_type3A_1670, %broadcast_in_dim3A_1672 : vector<16xi1>, vector<16xi32>
      %swap3A_1679 = arith.index_cast %mul3A_1494 : i32 to index
      %swap3A_1680 = tpu.vector_load %arg14[%swap3A_1679] {strides = array<i32>} : memref<3200xi32, #tpu.memory_space<vmem>>, vector<16xi32>,
      %swap3A_1681 = vector.shape_cast %swap3A_1680 : vector<16xi32> to vector<16xi32>
      %swap3A_1682 = vector.shape_cast %select_n3A_1678 : vector<16xi32> to vector<16xi32>
      tpu.vector_store %arg14[%swap3A_1679], %swap3A_1682 {strides = array<i32>} : memref<3200xi32, #tpu.memory_space<vmem>>, vector<16xi32>,
      %select_n3A_1683 = arith.select %and3A_1648, %convert_element_type3A_1669, %broadcast_in_dim3A_1672 : vector<16xi1>, vector<16xi32>
      %swap3A_1684 = arith.index_cast %mul3A_1494 : i32 to index
      %swap3A_1685 = tpu.vector_load %arg15[%swap3A_1684] {strides = array<i32>} : memref<3200xi32, #tpu.memory_space<vmem>>, vector<16xi32>,
      %swap3A_1686 = vector.shape_cast %swap3A_1685 : vector<16xi32> to vector<16xi32>
      %swap3A_1687 = vector.shape_cast %select_n3A_1683 : vector<16xi32> to vector<16xi32>
      tpu.vector_store %arg15[%swap3A_1684], %swap3A_1687 {strides = array<i32>} : memref<3200xi32, #tpu.memory_space<vmem>>, vector<16xi32>,
    }
    %scan3A_7 = arith.constant 25 : i32
    "tpu.region"() ({
      %run_scoped3A = tpu.sem_alloc : memref<!tpu.dma_semaphore, #tpu.memory_space<semaphore_mem>>
      %dma_start3A = tpu.memref_slice %arg6[%mul3A_2] : memref<102400xi32, #tpu.memory_space<hbm>> -> memref<3200xi32, #tpu.memory_space<hbm>>
      %dma_start3A_8 = tpu.memref_slice %arg6[%mul3A_2] : memref<102400xi32, #tpu.memory_space<hbm>> -> memref<3200xi32, #tpu.memory_space<hbm>>
      tpu.enqueue_dma source(%arg13 : memref<3200xi32, #tpu.memory_space<vmem>>) target(%dma_start3A_8 : memref<3200xi32, #tpu.memory_space<hbm>>) target_semaphore(%run_scoped3A : memref<!tpu.dma_semaphore, #tpu.memory_space<semaphore_mem>>)
      %dma_wait3A = tpu.memref_slice %arg6[%mul3A_2] : memref<102400xi32, #tpu.memory_space<hbm>> -> memref<3200xi32, #tpu.memory_space<hbm>>
      %dma_wait3A_9 = tpu.memref_slice %arg6[%mul3A_2] : memref<102400xi32, #tpu.memory_space<hbm>> -> memref<3200xi32, #tpu.memory_space<hbm>>
      tpu.wait_dma2 semaphore(%run_scoped3A : memref<!tpu.dma_semaphore, #tpu.memory_space<semaphore_mem>>) src(%arg13 : memref<3200xi32, #tpu.memory_space<vmem>>) dst(%dma_wait3A_9 : memref<3200xi32, #tpu.memory_space<hbm>>)
      tpu.yield
    }) : () -> ()
    "tpu.region"() ({
      %run_scoped3A = tpu.sem_alloc : memref<!tpu.dma_semaphore, #tpu.memory_space<semaphore_mem>>
      %dma_start3A = tpu.memref_slice %arg7[%mul3A_2] : memref<102400xi32, #tpu.memory_space<hbm>> -> memref<3200xi32, #tpu.memory_space<hbm>>
      %dma_start3A_8 = tpu.memref_slice %arg7[%mul3A_2] : memref<102400xi32, #tpu.memory_space<hbm>> -> memref<3200xi32, #tpu.memory_space<hbm>>
      tpu.enqueue_dma source(%arg14 : memref<3200xi32, #tpu.memory_space<vmem>>) target(%dma_start3A_8 : memref<3200xi32, #tpu.memory_space<hbm>>) target_semaphore(%run_scoped3A : memref<!tpu.dma_semaphore, #tpu.memory_space<semaphore_mem>>)
      %dma_wait3A = tpu.memref_slice %arg7[%mul3A_2] : memref<102400xi32, #tpu.memory_space<hbm>> -> memref<3200xi32, #tpu.memory_space<hbm>>
      %dma_wait3A_9 = tpu.memref_slice %arg7[%mul3A_2] : memref<102400xi32, #tpu.memory_space<hbm>> -> memref<3200xi32, #tpu.memory_space<hbm>>
      tpu.wait_dma2 semaphore(%run_scoped3A : memref<!tpu.dma_semaphore, #tpu.memory_space<semaphore_mem>>) src(%arg14 : memref<3200xi32, #tpu.memory_space<vmem>>) dst(%dma_wait3A_9 : memref<3200xi32, #tpu.memory_space<hbm>>)
      tpu.yield
    }) : () -> ()
    "tpu.region"() ({
      %run_scoped3A = tpu.sem_alloc : memref<!tpu.dma_semaphore, #tpu.memory_space<semaphore_mem>>
      %dma_start3A = tpu.memref_slice %arg8[%mul3A_2] : memref<102400xi32, #tpu.memory_space<hbm>> -> memref<3200xi32, #tpu.memory_space<hbm>>
      %dma_start3A_8 = tpu.memref_slice %arg8[%mul3A_2] : memref<102400xi32, #tpu.memory_space<hbm>> -> memref<3200xi32, #tpu.memory_space<hbm>>
      tpu.enqueue_dma source(%arg15 : memref<3200xi32, #tpu.memory_space<vmem>>) target(%dma_start3A_8 : memref<3200xi32, #tpu.memory_space<hbm>>) target_semaphore(%run_scoped3A : memref<!tpu.dma_semaphore, #tpu.memory_space<semaphore_mem>>)
      %dma_wait3A = tpu.memref_slice %arg8[%mul3A_2] : memref<102400xi32, #tpu.memory_space<hbm>> -> memref<3200xi32, #tpu.memory_space<hbm>>
      %dma_wait3A_9 = tpu.memref_slice %arg8[%mul3A_2] : memref<102400xi32, #tpu.memory_space<hbm>> -> memref<3200xi32, #tpu.memory_space<hbm>>
      tpu.wait_dma2 semaphore(%run_scoped3A : memref<!tpu.dma_semaphore, #tpu.memory_space<semaphore_mem>>) src(%arg15 : memref<3200xi32, #tpu.memory_space<vmem>>) dst(%dma_wait3A_9 : memref<3200xi32, #tpu.memory_space<hbm>>)
      tpu.yield
    }) : () -> ()
    return
  }
}

</mosaic_0001>

<sc_bundles>
// kernel: kernel.3.cloned.1.call-start
scs
__scs_entry_jumppad:
0x0: {  	(pc) =	sbr.rel $0x88, $3  }
0x1: {  	(tag) =	ssettag $0x0;
	lr =	simm.s32 $0x1  }
0x2: {  	[smem:$0x3F99] =	sst lr;
	_ =	strace $0xD0000000  }
0x3: {  	_ = 	snop  }
0x4: {  	_ = 	snop  }
0x5: {  	_ = 	snop  }
0x6: {  	_ = 	snop  }
0x7: {  	_ = 	snop  }
__scs_overlays_trampoline_lowered:
0x8: {  	[smem:$0x3FA8] =	sst s0  }
0x9: {  	[smem:$0x3FA9] =	sst s1  }
0xa: {  	[smem:$0x3FAA] =	sst s2  }
0xb: {  	[smem:$0x3FAB] =	sst s3  }
0xc: {  	[smem:$0x3FAC] =	sst s4  }
0xd: {  	[smem:$0x3FAD] =	sst s5  }
0xe: {  	[smem:$0x3FAE] =	sst s6  }
0xf: {  	[smem:$0x3FAF] =	sst s7  }
0x10: {  	[smem:$0x3FB0] =	sst s8  }
0x11: {  	[smem:$0x3FB1] =	sst s9;
	s0 =	simm.s32 @!p0 $0x0  }
0x12: {  	s1 =	sld [smem:$0x3F97];
	s0 =	simm.s32 @p0 $0x1  }
0x13: {  	[smem:$0x3FB2] =	sst s0;
	s0 =	simm.s32 @!p1 $0x0  }
0x14: {  	s2 =	sld [smem:$0x3F96];
	s0 =	simm.s32 @p1 $0x1  }
0x15: {  	[smem:$0x3FB3] =	sst s0;
	s0 =	simm.s32 @!p2 $0x0  }
0x16: {  	s3 =	sld [smem:$0x3FDB];
	s0 =	simm.s32 @p2 $0x1  }
0x17: {  	s4 =	simm.s32 $0x1BF5;
	[smem:$0x3FB5] =	sst s0  }
0x18: {  	s0 =	sld [smem:$0x3F98];
	_ =	swait.ge [sflag:s4], $0x0  }
0x19: {  	s7 =	sld [smem:$0x3F99]  }
0x1a: {  	s8 =	sadd.s32 $0xFFFFE003, lr  }
0x1b: {  	s9 =	sadd.s32 $0xFFFFFEF7, lr;
	s5 =	simm.s32 $0xFFFFFFFF;
	p2 =	slt.u32 s8, $0xFFFFF086  }
0x1c: {  	p1 =	slt.u32 s9, $0xF7A;
	s5 =	simm.s32 @!p2 $0x0  }
0x1d: {  	s5 =	simm.s32 @p1 $0x1;
	p0 =	seq.s32 s7, s2  }
0x1e: {  	s7 =	smul.u32 @!p0 $0xF7A, s2;
	p2 =	seq.s32 @!p0 s5, $0x0  }
0x1f: {  	s9 =	smul.u32 $0xF7A, s1;
	s8 =	simm.s32 @!p0 $0x1BF5;
	p2 =	por !p2, p0  }
0x20: {  	[sflag:s8] =	ssyncset.s32 @!p0 $0xFFFFF086;
	s6 =	sadd.s32 @!p0 s3, s7;
	s7 =	simm.s32 @!p0 $0x108  }
0x21: {  	s3 =	sadd.s32 s3, s9;
	s6 =	sadd.s32 @!p0 $0x88, s6;
	s7 =	simm.s32 @p2 $0x1082  }
0x22: {  	[simem:s7], [sflag:s8] =	dma.local @!p0 [hbm:s6], $0xF7A  }
0x23: {  	s9 =	sor.u32 $0xD0000000, s2;
	s6 =	simm.s32 $0x108;
	_ =	swait.ge @!p0 [sflag:s8], $0x0  }
0x24: {  	s3 =	sadd.s32 $0x88, s3;
	s6 =	simm.s32 @!p1 $0x1082;
	[sflag:s4] =	ssyncset.s32 $0xFFFFF086  }
0x25: {  	[simem:s6], [sflag:s4] =	dma.local [hbm:s3], $0xF7A  }
0x26: {  	[smem:$0x3F99] =	sst s1;
	(tag) =	ssettag s2;
	_ =	strace s9  }
0x27: {  	s1 =	sld [smem:$0x3FA9]  }
0x28: {  	s2 =	sld [smem:$0x3FAA]  }
0x29: {  	s4 =	sld [smem:$0x3FAC]  }
0x2a: {  	p0 =	seq.s32 s5, $0x0;
	s5 =	sld [smem:$0x3FAD]  }
0x2b: {  	s6 =	sld [smem:$0x3FAE]  }
0x2c: {  	s7 =	sld [smem:$0x3FAF]  }
0x2d: {  	s3 =	simm.s32 $0x108;
	s8 =	sld [smem:$0x3FB0]  }
0x2e: {  	s3 =	simm.s32 @!p0 $0x1082;
	s9 =	sld [smem:$0x3FB1]  }
0x2f: {  	lr =	sadd.s32 s0, s3;
	s0 =	sld [smem:$0x3FA8]  }
0x30: {  	s3 =	sld [smem:$0x3FAB]  }
0x31: {  	[smem:$0x3FB4] =	sst s10  }
0x32: {  	s10 =	sld [smem:$0x3FB2];
	_ =	sdelay $0x3  }
0x33: {  	p0 =	seq.s32 s10, $0x1;
	s10 =	sld [smem:$0x3FB4];
	_ =	sdelay $0x3  }
0x34: {  	[smem:$0x3FB4] =	sst s10  }
0x35: {  	s10 =	sld [smem:$0x3FB3];
	_ =	sdelay $0x3  }
0x36: {  	p1 =	seq.s32 s10, $0x1;
	s10 =	sld [smem:$0x3FB4];
	_ =	sdelay $0x3  }
0x37: {  	[smem:$0x3FB4] =	sst s10  }
0x38: {  	s10 =	sld [smem:$0x3FB5]  }
0x39: {  	_ = 	snop;
	(pc) =	sbr.ind lr, $3  }
0x3a: {  	_ = 	snop  }
0x3b: {  	_ = 	snop  }
0x3c: {  	p2 =	seq.s32 s10, $0x1;
	s10 =	sld [smem:$0x3FB4]  }
0x3d: {  	_ =	shalt  }
0x3e: {  	_ =	shalt  }
0x3f: {  	_ =	shalt  }
0x40: {  	_ =	shalt  }
0x41: {  	_ =	shalt  }
0x42: {  	_ =	shalt  }
0x43: {  	_ =	shalt  }
0x44: {  	_ =	shalt  }
0x45: {  	_ =	shalt  }
0x46: {  	_ =	shalt  }
0x47: {  	_ =	shalt  }
0x48: {  	_ =	shalt  }
0x49: {  	_ =	shalt  }
0x4a: {  	_ =	shalt  }
0x4b: {  	_ =	shalt  }
0x4c: {  	_ =	shalt  }
0x4d: {  	_ =	shalt  }
0x4e: {  	_ =	shalt  }
0x4f: {  	_ =	shalt  }
0x50: {  	_ =	shalt  }
0x51: {  	_ =	shalt  }
0x52: {  	_ =	shalt  }
0x53: {  	_ =	shalt  }
0x54: {  	_ =	shalt  }
0x55: {  	_ =	shalt  }
0x56: {  	_ =	shalt  }
0x57: {  	_ =	shalt  }
0x58: {  	_ =	shalt  }
0x59: {  	_ =	shalt  }
0x5a: {  	_ =	shalt  }
0x5b: {  	_ =	shalt  }
0x5c: {  	_ =	shalt  }
0x5d: {  	_ =	shalt  }
0x5e: {  	_ =	shalt  }
0x5f: {  	_ =	shalt  }
0x60: {  	_ =	shalt  }
0x61: {  	_ =	shalt  }
0x62: {  	_ =	shalt  }
0x63: {  	_ =	shalt  }
0x64: {  	_ =	shalt  }
0x65: {  	_ =	shalt  }
0x66: {  	_ =	shalt  }
0x67: {  	_ =	shalt  }
0x68: {  	_ =	shalt  }
0x69: {  	_ =	shalt  }
0x6a: {  	_ =	shalt  }
0x6b: {  	_ =	shalt  }
0x6c: {  	_ =	shalt  }
0x6d: {  	_ =	shalt  }
0x6e: {  	_ =	shalt  }
0x6f: {  	_ =	shalt  }
0x70: {  	_ =	shalt  }
0x71: {  	_ =	shalt  }
0x72: {  	_ =	shalt  }
0x73: {  	_ =	shalt  }
0x74: {  	_ =	shalt  }
0x75: {  	_ =	shalt  }
0x76: {  	_ =	shalt  }
0x77: {  	_ =	shalt  }
0x78: {  	_ =	shalt  }
0x79: {  	_ =	shalt  }
0x7a: {  	_ =	shalt  }
0x7b: {  	_ =	shalt  }
0x7c: {  	_ =	shalt  }
0x7d: {  	_ =	shalt  }
0x7e: {  	_ =	shalt  }
0x7f: {  	_ =	shalt  }
0x80: {  	_ =	shalt  }
0x81: {  	_ =	shalt  }
0x82: {  	_ =	shalt  }
0x83: {  	_ =	shalt  }
0x84: {  	_ =	shalt  }
0x85: {  	_ =	shalt  }
0x86: {  	_ =	shalt  }
0x87: {  	_ =	shalt  }
.Lfunc_end0:
.L_simem_size_0:
called_computation_lowered:
.L_overlay_start_0:
0x88: {  	s2 =	sld [smem:$0x3FD9]  }
0x89: {  	s3 =	sld [smem:$0x3FFE];
	_ =	sdelay $0x1  }
0x8a: {  	s1 =	srdreg.scid  }
0x8b: {  	s0 =	sand.u32 $0x1, s1  }
0x8c: {  	s14 =	sshll.u32 s0, $0xA;
	s2 =	sadd.s32 s3, s2  }
0x8d: {  	s2 =	sadd.s32 s2, s14  }
0x8e: {  	[smem:$0x3FC0] =	sst s2  }
0x8f: {  	_ = 	snop  }
0x90: {  	s2 =	sld [smem:$0x3FD0];
	_ =	sdelay $0x2  }
0x91: {  	s15 =	simm.s32 $0xA;
	s4 =	simm.s32 $0x10  }
0x92: {  	[smem:s4], [sflag:s15] =	dma.local [hbm:s2], $0x1  }
0x93: {  	_ =	swait.eq [sflag:s15], $0x1  }
0x94: {  	[sflag:s15] =	ssyncset.done $0x0  }
0x95: {  	s16 =	sld [smem:$0x10];
	[sflag:s15] =	ssyncadd.s32 $0xFFFFFFFF  }
0x96: {  	s17 =	sld [smem:$0x11];
	(tm) =	ssettm $0x1  }
0x97: {  	s18 =	sld [smem:$0x3FFB];
	_ =	sdelay $0x3  }
0x98: {  	_ =	strace s18  }
0x99: {  	s4 =	sld [smem:$0x3FFC];
	_ =	sdelay $0x3  }
0x9a: {  	_ =	strace s4  }
0x9b: {  	s4 =	sld [smem:$0x3FFD];
	_ =	sdelay $0x3  }
0x9c: {  	_ =	strace s4  }
0x9d: {  	_ =	strace $0x8FFFFFFF  }
0x9e: {  	s19 =	sld [smem:$0x3FDB];
	_ =	sdelay $0x1  }
0x9f: {  	s5 =	simm.s32 $_scs_section_size  }
0xa0: {  	s6 =	simm.s32 $_size__tile_overlayer_lowered;
	s7 =	simm.s32 $_tile_overlayer_lowered  }
0xa1: {  	s22 =	simm.s32 $0x1BFF;
	s21 =	sshll.u32 s7, $0x1;
	s4 =	sadd.s32 s5, s19  }
0xa2: {  	s8 =	simm.s32 $0x0;
	s20 =	sshll.u32 s6, $0x1;
	s6 =	sadd.s32 s21, s4  }
0xa3: {  	[timem:s8], [sflag:s22] =	dma.local [hbm:s6], s20  }
0xa4: {  	_ =	swait.ge [sflag:s22], s20  }
0xa5: {  	s5 =	ssub.s32 $0x0, s20;
	[sflag:s22] =	ssyncset.done $0x0  }
0xa6: {  	[sflag:s22] =	ssyncadd.s32 s5;
	_ =	sdelay $0x1  }
0xa7: {  	s23 =	simm.s32 $0x1B8B  }
0xa8: {  	_ =	swait.ge [sflag:s23], $0x1  }
0xa9: {  	[sflag:s23] =	ssyncset.done $0x0  }
0xaa: {  	s25 =	simm.s32 $0x1B8E;
	s24 =	sld [smem:$0x3FFE];
	[sflag:s23] =	ssyncadd.s32 $0xFFFFFFFF  }
0xab: {  	s26 =	simm.s32 $execute0_lowered;
	[smem:$0x3FD2] =	sst s25  }
0xac: {  	s6 =	sshll.u32 s26, $0x1;
	_ =	strace $0x80000046;
	[dreg:$0x1] =	wrdreg $0xFFFFFFFF  }
0xad: {  	s28 =	simm.s32 $_size_execute0_lowered;
	s4 =	sadd.s32 s4, s6;
	[dreg:$0x0] =	wrdreg $0x0  }
0xae: {  	s6 =	sshll.u32 s28, $0x1;
	[dreg:$0x2] =	wrdreg s4  }
0xaf: {  	[dreg:$0x3] =	wrdreg s6  }
0xb0: {  	[dreg:$0x4] =	wrdreg $0xC0  }
0xb1: {  	_ =	task [dreg:s8], $0x5FFFF  }
0xb2: {  	[dreg:$0x1] =	wrdreg $0xFFFFFFFF  }
0xb3: {  	[dreg:$0x0] =	wrdreg $0x60  }
0xb4: {  	[dreg:$0x2] =	wrdreg s17  }
0xb5: {  	[dreg:$0x3] =	wrdreg s24  }
0xb6: {  	[dreg:$0x4] =	wrdreg s16  }
0xb7: {  	[dreg:$0x5] =	wrdreg $0x9  }
0xb8: {  	_ =	task.clear_ibuf [dreg:s8], $0x6FFFF;
	_ =	strace $0x90000046  }
0xb9: {  	s29 =	simm.s32 $0x9;
	_ =	strace $0x80000048  }
0xba: {  	_ =	swait.ge [sflag:s29], $0x1  }
0xbb: {  	[sflag:s29] =	ssyncadd.s32 $0xFFFFFFFF  }
0xbc: {  	_ =	strace $0x90000048  }
0xbd: {  	_ =	sfence  }
0xbe: {  	s30 =	sld [smem:$0x0];
	_ =	sdelay $0x2  }
0xbf: {  	s31 =	sshll.u32 s1, $0xD;
	s1 =	sshrl.u32 s1, $0x2  }
0xc0: {  	s3 =	sand.u32 $0x4000, s31;
	s1 =	sadd.s32 s1, s30  }
0xc1: {  	s0 =	sor.u32 s3, s0;
	s1 =	sshll.u32 s1, $0x11  }
0xc2: {  	s0 =	sor.u32 s1, s0  }
0xc3: {  	s0 =	sadd.s32 $0x8F2B, s0  }
0xc4: {  	[sflag:s0] =	ssyncadd.remote.s32 $0x1  }
0xc5: {  	_ =	sfence.sel $0xFFFF  }
0xc6: {  	[dreg:$0x0] =	wrdreg $0xFFFFFFFF;
	(pc) =	sbr.abs _section_cstart, $3  }
0xc7: {  	[dreg:$0x1] =	wrdreg $0xFFFFFFFF  }
0xc8: {  	_ =	task.clear_ibuf [dreg:s8], $0x2FFFF;
	_ =	strace $0x9FFFFFFF  }
0xc9: {  	(tm) =	ssettm $0x7FFFFFFF  }
tec
execute0_lowered:
.L_overlay_start_1:
0x0: {  	(tag) =	ssettag $0x1  }
0x1: {  	s4 =	rddreg [dreg:$0x0]  }
0x2: {  	s5 =	rddreg [dreg:$0x1];
	s1 =	srdreg.scid  }
0x3: {  	s0 =	stileid.u32;
	s2 =	rddreg [dreg:$0x2]  }
0x4: {  	s11 =	simm.s32 $0x1;
	s12 =	simm.s32 $0xC80;
	s13 =	simm.s32 $0x1900  }
0x5: {  	s14 =	simm.s32 $0x2580;
	s15 =	simm.s32 $0x3180;
	s16 =	simm.s32 $0x3E00  }
0x6: {  	s17 =	simm.s32 $0x4A80;
	s6 =	sand.u32 $0x1, s1;
	s3 =	sshll.u32 s0, $0x1  }
0x7: {  	s18 =	simm.s32 $0x0;
	s7 =	sor.u32 s6, s3;
	s3 =	simm.s32 $0x0  }
0x8: {  	s6 =	ssub.s32 $0x2, s6;
	s7 =	smul.u32 $0x190, s7;
	[smem:$0x7FF] =	sst s3  }
0x9: {  	s1 =	rddreg [dreg:$0x3];
	s8 =	sshrl.u32 s6, $0x1;
	_ =	strace $0x80000047  }
0xa: {  	s10 =	ssub.s32 s6, s8;
	s9 =	sadd.s32 s7, s5;
	s4 =	sadd.s32 s4, s7  }
0xb: {  	s10 =	smax.u32 s10, $0x1;
	s5 =	sadd.s32 $0x5C00, s9;
	s6 =	sadd.s32 $0x2A00, s9  }
0xc: {  	v0 =	vimm.s32 $0x0;
	s7 =	sadd.s32 $0x8E00, s9;
	s8 =	sadd.s32 $0xC000, s9;
	s9 =	sadd.s32 $0xF200, s9  }
.LBB2_1:
0xd: {  	[tilespmem:s3], [sflag:$0x1] =	stream.linear.gather [hbm4b:s4+s3], $0xC80, $0x38;
	[tilespmem:$0x5700] =	vst v63  }
0xe: {  	_ =	swait.ge [sflag:s11], $0xC80  }
0xf: {  	[sflag:s11] =	ssyncset.done $0x0  }
0x10: {  	[sflag:s11] =	ssyncadd.s32 $0xFFFFF380  }
0x11: {  	[tilespmem:s12], [sflag:$0x1] =	stream.linear.gather [hbm4b:s5+s3], $0xC80, $0x38;
	[tilespmem:$0x5700] =	vst v63  }
0x12: {  	_ =	swait.ge [sflag:s11], $0xC80  }
0x13: {  	[sflag:s11] =	ssyncset.done $0x0  }
0x14: {  	[sflag:s11] =	ssyncadd.s32 $0xFFFFF380  }
0x15: {  	[tilespmem:s13], [sflag:$0x1] =	stream.linear.gather [hbm4b:s6+s3], $0xC80, $0x38;
	[tilespmem:$0x5700] =	vst v63  }
0x16: {  	_ =	swait.ge [sflag:s11], $0xC80  }
0x17: {  	[sflag:s11] =	ssyncset.done $0x0  }
0x18: {  	[sflag:s11] =	ssyncadd.s32 $0xFFFFF380  }
0x19: {  	[tilespmem:s14], [sflag:$0x1] =	stream.linear.gather [hbm4b:s2+s3], $0xA00, $0x38;
	[tilespmem:$0x5700] =	vst v63  }
0x1a: {  	_ =	swait.ge [sflag:s11], $0xA00  }
0x1b: {  	[sflag:s11] =	ssyncset.done $0x0  }
0x1c: {  	s19 =	simm.s32 $0x0;
	[sflag:s11] =	ssyncadd.s32 $0xFFFFF600  }
.LBB2_2:
0x1d: {  	s20 =	sshra.s32 s19, $0x2  }
0x1e: {  	v1 =	vld [tilespmem:s20+$0x0]  }
0x1f: {  	v2 =	vld [tilespmem:s20+$0xC80];
	_ =	sdelay $0x4  }
0x20: {  	v1 =	vadd.f32 $5.000000000e-01, v1;
	v2 =	vadd.f32 $5.000000000e-01, v2;
	_ =	sdelay $0x1  }
0x21: {  	v3 =	vtrunc.f32 v1;
	v4 =	vtrunc.f32 v2  }
0x22: {  	v5 =	vcvt.f32.s32 v3;
	v6 =	vcvt.f32.s32 v4;
	_ =	sdelay $0x1  }
0x23: {  	vm0 =	veq.f32 v1, v3;
	v1 =	vand.u32 $0x1, v5;
	v3 =	vand.u32 $0x1, v6  }
0x24: {  	v19 =	vld [tilespmem:$0x2580];
	vm2 =	veq.f32 v2, v4;
	vm1 =	veq.s32 v1, $0x1;
	vm3 =	veq.s32 v3, $0x1  }
0x25: {  	v20 =	vld [tilespmem:$0x2D80];
	vm0 =	vmand vm0, vm1;
	vm11 =	vmand vm2, vm3  }
0x26: {  	v17 =	vld [tilespmem:$0x2E00];
	v1 =	vsel vm0, $0xFFFFFFFF, v0;
	v2 =	vsel vm11, $0xFFFFFFFF, v0  }
0x27: {  	v15 =	vld [tilespmem:$0x2600];
	v1 =	vadd.s32 v5, v1;
	v2 =	vadd.s32 v6, v2  }
0x28: {  	v18 =	vld [tilespmem:$0x2680];
	v1 =	vcvt.s32.f32 v1;
	v2 =	vcvt.s32.f32 v2  }
0x29: {  	v16 =	vld [tilespmem:$0x2700]  }
0x2a: {  	v1 =	vmax.f32 v1, $0.0e+00;
	v2 =	vmax.f32 v2, $0.0e+00  }
0x2b: {  	v1 =	vmin.f32 v1, v20;
	v2 =	vmin.f32 v2, v17  }
0x2c: {  	v1 =	vsub.f32 v1, v19;
	v2 =	vsub.f32 v2, v15;
	_ =	sdelay $0x1  }
0x2d: {  	v1 =	vmul.f32 v1, v18;
	v2 =	vmul.f32 v2, v16;
	_ =	sdelay $0x1  }
0x2e: {  	v3 =	vmul.f32 v1, v1;
	v37 =	vmul.f32 v2, v2;
	_ =	sdelay $0x1  }
0x2f: {  	v3 =	vadd.f32 v37, v3;
	_ =	sdelay $0x1  }
0x30: {  	v3 =	vadd.f32 $1.000000000e+00, v3;
	_ =	sdelay $0x1  }
0x31: {  	(erf) = vrcp.f32 v3  }
0x32: {  	v40 =	vld [tilespmem:s20+$0x10]  }
0x33: {  	v7 =	vld [tilespmem:s20+$0xC90];
	_ =	sdelay $0x3  }
0x34: {  	v41 =	vadd.f32 $5.000000000e-01, v40  }
0x35: {  	v42 =	vadd.f32 $5.000000000e-01, v7  }
0x36: {  	v8 =	vtrunc.f32 v41;
	v3 =	vmul.f32 $5.000000000e-01, v3  }
0x37: {  	v9 =	vtrunc.f32 v42;
	v10 =	vcvt.f32.s32 v8;
	v38 =	vpop (erf)  }
0x38: {  	v11 =	vcvt.f32.s32 v9;
	v39 =	vmul.f32 v38, v3  }
0x39: {  	vm12 =	veq.f32 v41, v8  }
0x3a: {  	v44 =	vand.u32 $0x1, v10;
	v45 =	vand.u32 $0x1, v11;
	v5 =	vmul.f32 v39, v38  }
0x3b: {  	vm14 =	veq.f32 v42, v9;
	vm13 =	veq.s32 v44, $0x1;
	vm15 =	veq.s32 v45, $0x1  }
0x3c: {  	vm6 =	vmand vm14, vm15;
	vm0 =	vmand vm12, vm13;
	v5 =	vsub.f32 $1.500000000e+00, v5  }
0x3d: {  	v48 =	vsel vm6, $0xFFFFFFFF, v0;
	v47 =	vsel vm0, $0xFFFFFFFF, v0  }
0x3e: {  	v50 =	vadd.s32 v11, v48;
	v49 =	vadd.s32 v10, v47;
	v4 =	vmul.f32 v5, v38  }
0x3f: {  	v6 =	vcvt.s32.f32 v50;
	v5 =	vcvt.s32.f32 v49  }
0x40: {  	v43 =	vmul.f32 v4, v3  }
0x41: {  	v6 =	vmax.f32 v6, $0.0e+00;
	v5 =	vmax.f32 v5, $0.0e+00  }
0x42: {  	v6 =	vmin.f32 v6, v17;
	v5 =	vmin.f32 v5, v20;
	v7 =	vmul.f32 v43, v4  }
0x43: {  	v6 =	vsub.f32 v6, v15;
	v5 =	vsub.f32 v5, v19  }
0x44: {  	v46 =	vsub.f32 $1.500000000e+00, v7  }
0x45: {  	v21 =	vmul.f32 v6, v16;
	v14 =	vmul.f32 v5, v18  }
0x46: {  	v4 =	vmul.f32 v46, v4  }
0x47: {  	v6 =	vmul.f32 v21, v21;
	v5 =	vmul.f32 v14, v14  }
0x48: {  	v51 =	vmul.f32 v4, v3  }
0x49: {  	v5 =	vadd.f32 v6, v5  }
0x4a: {  	v7 =	vmul.f32 v51, v4  }
0x4b: {  	v5 =	vadd.f32 $1.000000000e+00, v5  }
0x4c: {  	v52 =	vld [tilespmem:s20+$0x20];
	v7 =	vsub.f32 $1.500000000e+00, v7  }
0x4d: {  	v41 =	vld [tilespmem:s20+$0xCB0];
	(erf) = vrcp.f32 v5  }
0x4e: {  	v40 =	vld [tilespmem:s20+$0x30];
	v4 =	vmul.f32 v7, v4;
	_ =	sdelay $0x1  }
0x4f: {  	v3 =	vmul.f32 v4, v3  }
0x50: {  	v56 =	vadd.f32 $5.000000000e-01, v52  }
0x51: {  	v53 =	vld [tilespmem:s20+$0xCA0];
	v47 =	vadd.f32 $5.000000000e-01, v41;
	v3 =	vmul.f32 v3, v4  }
0x52: {  	v58 =	vtrunc.f32 v56;
	v46 =	vadd.f32 $5.000000000e-01, v40  }
0x53: {  	v12 =	vcvt.f32.s32 v58;
	v50 =	vtrunc.f32 v47;
	v3 =	vsub.f32 $1.500000000e+00, v3  }
0x54: {  	v48 =	vtrunc.f32 v46;
	v22 =	vmul.f32 $5.000000000e-01, v5  }
0x55: {  	v49 =	vcvt.f32.s32 v48;
	v24 =	vpop (erf);
	v3 =	vmul.f32 v3, v4  }
0x56: {  	v51 =	vcvt.f32.s32 v50;
	v4 =	vadd.f32 $5.000000000e-01, v53;
	v60 =	vmul.f32 v24, v22  }
0x57: {  	vm7 =	veq.f32 v56, v58;
	v1 =	vmul.f32 v3, v1;
	v2 =	vmul.f32 v3, v2  }
0x58: {  	v52 =	vand.u32 $0x1, v49;
	v57 =	vmul.f32 $6.553700000e+04, v3;
	v59 =	vtrunc.f32 v4  }
0x59: {  	v53 =	vand.u32 $0x1, v51;
	v62 =	vmul.f32 v60, v24;
	v13 =	vcvt.f32.s32 v59  }
0x5a: {  	vm4 =	veq.s32 v53, $0x1;
	v54 =	vmul.f32 $6.553700000e+04, v1;
	v55 =	vmul.f32 $6.553700000e+04, v2  }
0x5b: {  	vm9 =	veq.f32 v4, v59;
	v3 =	vsub.f32 v57, v3;
	v4 =	vsub.f32 $1.500000000e+00, v62  }
0x5c: {  	v6 =	vld [tilespmem:$0x2780];
	v61 =	vand.u32 $0x1, v13;
	v1 =	vsub.f32 v54, v1;
	v2 =	vsub.f32 v55, v2  }
0x5d: {  	v7 =	vld [tilespmem:$0x2800];
	vm10 =	veq.s32 v61, $0x1;
	v3 =	vsub.f32 v57, v3;
	v24 =	vmul.f32 v4, v24  }
0x5e: {  	v11 =	vld [tilespmem:$0x2900];
	vm11 =	vmand vm9, vm10;
	vm9 =	veq.f32 v47, v50;
	v23 =	vsub.f32 v54, v1  }
0x5f: {  	v2 =	vsub.f32 v55, v2;
	v1 =	vand.u32 $0x1, v12;
	v32 =	vsel vm11, $0xFFFFFFFF, v0  }
0x60: {  	v27 =	vmul.f32 v24, v22;
	vm3 =	vmand vm9, vm4;
	vm8 =	veq.s32 v1, $0x1  }
0x61: {  	v4 =	vld [tilespmem:$0x2B80];
	v9 =	vadd.s32 v13, v32;
	v57 =	vsel vm3, $0xFFFFFFFF, v0;
	v63 =	vmul.f32 v23, v6  }
0x62: {  	v13 =	vld [tilespmem:$0x2980];
	vm0 =	vmand vm7, vm8;
	v9 =	vcvt.s32.f32 v9;
	v25 =	vmul.f32 v2, v7  }
0x63: {  	v1 =	vld [tilespmem:$0x2880];
	v29 =	vmul.f32 v23, v11;
	vm7 =	veq.f32 v46, v48;
	v31 =	vsel vm0, $0xFFFFFFFF, v0  }
0x64: {  	vm8 =	veq.s32 v52, $0x1;
	v8 =	vadd.s32 v12, v31;
	v12 =	vld [tilespmem:$0x2A80];
	v35 =	vmax.f32 v9, $0.0e+00  }
0x65: {  	v9 =	vld [tilespmem:$0x2A00];
	v31 =	vmul.f32 v27, v24;
	v33 =	vcvt.s32.f32 v8;
	v10 =	vmin.f32 v35, v17  }
0x66: {  	v38 =	vmul.f32 v3, v4;
	v25 =	vadd.f32 v25, v63;
	v8 =	vld [tilespmem:$0x2B00];
	v10 =	vsub.f32 v10, v15  }
0x67: {  	v30 =	vmul.f32 v2, v13;
	v31 =	vsub.f32 $1.500000000e+00, v31;
	v34 =	vmax.f32 v33, $0.0e+00  }
0x68: {  	v26 =	vmul.f32 v3, v1;
	v28 =	vmin.f32 v34, v20;
	v27 =	vmul.f32 v10, v16  }
0x69: {  	v36 =	vld [tilespmem:s20+$0x1900];
	v29 =	vadd.f32 v30, v29;
	v24 =	vmul.f32 v31, v24;
	v30 =	vadd.s32 v51, v57  }
0x6a: {  	v28 =	vsub.f32 v28, v19;
	v23 =	vmul.f32 v23, v12;
	v34 =	vmul.f32 v3, v9  }
0x6b: {  	vm2 =	vmand vm7, vm8;
	v30 =	vcvt.s32.f32 v30;
	v37 =	vmul.f32 v2, v8;
	v2 =	vld [tilespmem:$0x2C00]  }
0x6c: {  	v5 =	vld [tilespmem:$0x2C80];
	v25 =	vadd.f32 v25, v26;
	v33 =	vmul.f32 v27, v27;
	v28 =	vmul.f32 v28, v18  }
0x6d: {  	v31 =	vmul.f32 v24, v22;
	v29 =	vadd.f32 v29, v34;
	v23 =	vadd.f32 v37, v23  }
0x6e: {  	v56 =	vsel vm2, $0xFFFFFFFF, v0;
	v3 =	vld [tilespmem:$0x2D00];
	v25 =	vmul.f32 v25, v36;
	v32 =	vmul.f32 v28, v28  }
0x6f: {  	v43 =	vmul.f32 v31, v24;
	v29 =	vmul.f32 v29, v36;
	v23 =	vadd.f32 v23, v38  }
0x70: {  	v59 =	vmax.f32 v30, $0.0e+00;
	v39 =	vadd.f32 v33, v32;
	v42 =	vadd.f32 v25, v2  }
0x71: {  	v45 =	vsub.f32 $1.500000000e+00, v43;
	v29 =	vadd.f32 v29, v5;
	v10 =	vmul.f32 v23, v36  }
0x72: {  	v26 =	vadd.f32 $1.000000000e+00, v39;
	vm12 =	vge.f32 v42, $-5.120000080e+01;
	vm13 =	vlt.f32 v42, $5.120000080e+01  }
0x73: {  	vm14 =	vge.f32 v29, $-5.120000080e+01;
	v44 =	vadd.f32 v10, v3;
	v10 =	vmul.f32 v45, v24  }
0x74: {  	(erf) = vrcp.f32 v26;
	v35 =	vmul.f32 $5.000000000e-01, v26;
	v26 =	vadd.s32 v49, v56  }
0x75: {  	vm15 =	vlt.f32 v29, $5.120000080e+01;
	v22 =	vmul.f32 v10, v22;
	v26 =	vcvt.s32.f32 v26  }
0x76: {  	v23 =	vadd.f32 $5.120000080e+01, v42;
	v29 =	vadd.f32 $5.120000080e+01, v29;
	vm0 =	vmand vm12, vm14  }
0x77: {  	v22 =	vmul.f32 v22, v10;
	v58 =	vmax.f32 v26, $0.0e+00;
	v26 =	vmin.f32 v59, v17  }
0x78: {  	vm0 =	vmand vm0, vm13;
	v60 =	vmin.f32 v58, v20;
	v26 =	vsub.f32 v26, v15  }
0x79: {  	v23 =	vmul.f32 $1.953124880e+00, v23;
	v22 =	vsub.f32 $1.500000000e+00, v22;
	v25 =	vsub.f32 v60, v19  }
0x7a: {  	v29 =	vmul.f32 $1.953124880e+00, v29;
	vm0 =	vmand vm15, vm0;
	v26 =	vmul.f32 v26, v16  }
0x7b: {  	vm10 =	vge.f32 v44, $-5.000000000e+00;
	v22 =	vmul.f32 v22, v10;
	v30 =	vmul.f32 v25, v18  }
0x7c: {  	vm11 =	vlt.f32 v44, $3.000000000e+00;
	vm0 =	vmand vm10, vm0;
	v10 =	vld [tilespmem:$0x2E80];
	v41 =	vmul.f32 v26, v26  }
0x7d: {  	v23 =	vmax.f32 v23, $0.0e+00;
	v54 =	vpop (erf);
	v61 =	vmul.f32 v22, v14;
	v40 =	vmul.f32 v30, v30  }
0x7e: {  	v29 =	vmax.f32 v29, $0.0e+00;
	v14 =	vld [tilespmem:$0x2F00];
	v42 =	vmul.f32 $6.553700000e+04, v22;
	v55 =	vmul.f32 v54, v35  }
0x7f: {  	vm0 =	vmand vm11, vm0;
	v21 =	vmul.f32 v22, v21;
	v33 =	vadd.f32 v41, v40  }
0x80: {  	v36 =	vmul.f32 $6.553700000e+04, v61;
	v22 =	vsub.f32 v42, v22;
	v24 =	vmul.f32 v55, v54  }
0x81: {  	v37 =	vmul.f32 $6.553700000e+04, v21;
	v23 =	vmin.f32 v23, v10;
	v33 =	vadd.f32 $1.000000000e+00, v33  }
0x82: {  	v23 =	vtrunc.f32 v23;
	v22 =	vsub.f32 v42, v22;
	v24 =	vsub.f32 $1.500000000e+00, v24  }
0x83: {  	v58 =	vld [tilespmem:s20+$0x40];
	v29 =	vmin.f32 v29, v14;
	v23 =	vcvt.f32.s32 v23;
	(erf) = vrcp.f32 v33  }
0x84: {  	v32 =	vsub.f32 v36, v61;
	v29 =	vtrunc.f32 v29;
	v24 =	vmul.f32 v24, v54  }
0x85: {  	v59 =	vld [tilespmem:s20+$0xCC0];
	v21 =	vsub.f32 v37, v21;
	v47 =	vmul.f32 v22, v1;
	v52 =	vmul.f32 v22, v9  }
0x86: {  	v32 =	vsub.f32 v36, v32;
	v22 =	vmul.f32 v22, v4;
	v62 =	vmul.f32 v24, v35  }
0x87: {  	v21 =	vsub.f32 v37, v21;
	v33 =	vmul.f32 $5.000000000e-01, v33;
	v29 =	vcvt.f32.s32 v29  }
0x88: {  	v34 =	vadd.f32 $5.000000000e-01, v58;
	v45 =	vmul.f32 v32, v6;
	v63 =	vmul.f32 v62, v24  }
0x89: {  	v23 =	vnsel vm0, $0xFFFFFFFF, v23;
	v36 =	vmul.f32 v32, v11;
	v38 =	vmul.f32 v21, v13  }
0x8a: {  	v48 =	vld [tilespmem:s20+$0x1910];
	v46 =	vmul.f32 v21, v7;
	v25 =	vsub.f32 $1.500000000e+00, v63;
	v63 =	vadd.f32 $5.000000000e-01, v59  }
0x8b: {  	v50 =	vmul.f32 v32, v12;
	v21 =	vmul.f32 v21, v8;
	v51 =	vadd.f32 v38, v36  }
0x8c: {  	v24 =	vmul.f32 v25, v24;
	v25 =	vadd.f32 v46, v45;
	v54 =	vpop (erf);
	v40 =	vtrunc.f32 v63  }
0x8d: {  	v32 =	vadd.f32 v51, v52;
	v55 =	vmul.f32 v54, v33;
	v42 =	vcvt.f32.s32 v40  }
0x8e: {  	v43 =	vmul.f32 v24, v35;
	v49 =	vadd.f32 v25, v47;
	v25 =	vadd.f32 v21, v50  }
0x8f: {  	v56 =	vmul.f32 v32, v48;
	vm10 =	veq.f32 v63, v40;
	v36 =	vmul.f32 v55, v54  }
0x90: {  	v50 =	vand.u32 $0x1, v42;
	v44 =	vmul.f32 v43, v24;
	v25 =	vadd.f32 v25, v22  }
0x91: {  	v21 =	vsel vm0, $0x1, v0;
	vm11 =	veq.s32 v50, $0x1;
	v61 =	vsub.f32 $1.500000000e+00, v36  }
0x92: {  	v31 =	vsub.f32 $1.500000000e+00, v44;
	v37 =	vmul.f32 v25, v48;
	v25 =	vadd.f32 v56, v5  }
0x93: {  	v22 =	vnsel vm0, $0xFFFFFFFF, v29;
	vm3 =	vmand vm10, vm11;
	v32 =	vmul.f32 v61, v54  }
0x94: {  	v31 =	vmul.f32 v31, v24;
	v24 =	vmul.f32 v49, v48;
	vm14 =	vge.f32 v25, $-5.120000080e+01  }
0x95: {  	v49 =	vtrunc.f32 v34;
	vm15 =	vlt.f32 v25, $5.120000080e+01;
	v25 =	vadd.f32 $5.120000080e+01, v25  }
0x96: {  	v39 =	vcvt.f32.s32 v49;
	v35 =	vmul.f32 v31, v35;
	v24 =	vadd.f32 v24, v2  }
0x97: {  	v48 =	vmul.f32 v32, v33;
	vm8 =	veq.f32 v34, v49;
	v25 =	vmul.f32 $1.953124880e+00, v25  }
0x98: {  	v44 =	vand.u32 $0x1, v39;
	v53 =	vmul.f32 v35, v31;
	vm12 =	vge.f32 v24, $-5.120000080e+01  }
0x99: {  	v49 =	vld [tilespmem:s20+$0x50];
	vm13 =	vlt.f32 v24, $5.120000080e+01;
	vm9 =	veq.s32 v44, $0x1;
	v24 =	vadd.f32 $5.120000080e+01, v24  }
0x9a: {  	v25 =	vmax.f32 v25, $0.0e+00;
	vm0 =	vmand vm12, vm14;
	vm2 =	vmand vm8, vm9  }
0x9b: {  	v25 =	vmin.f32 v25, v14;
	v57 =	vsub.f32 $1.500000000e+00, v53;
	vm0 =	vmand vm0, vm13  }
0x9c: {  	v52 =	vsel vm2, $0xFFFFFFFF, v0;
	v53 =	vsel vm3, $0xFFFFFFFF, v0;
	v24 =	vmul.f32 $1.953124880e+00, v24  }
0x9d: {  	v25 =	vtrunc.f32 v25;
	v54 =	vadd.s32 v39, v52;
	v55 =	vadd.s32 v42, v53  }
0x9e: {  	vm0 =	vmand vm15, vm0;
	v53 =	vadd.f32 $5.000000000e-01, v49;
	v25 =	vcvt.f32.s32 v25  }
0x9f: {  	v60 =	vmul.f32 v57, v31;
	v31 =	vadd.f32 v37, v3;
	v37 =	vmul.f32 v48, v32  }
0xa0: {  	v56 =	vcvt.s32.f32 v54;
	v57 =	vcvt.s32.f32 v55;
	v24 =	vmax.f32 v24, $0.0e+00  }
0xa1: {  	v55 =	vtrunc.f32 v53;
	v24 =	vmin.f32 v24, v10;
	v28 =	vmul.f32 v60, v28  }
0xa2: {  	v27 =	vmul.f32 v60, v27;
	v43 =	vmul.f32 $6.553700000e+04, v60;
	v51 =	vsub.f32 $1.500000000e+00, v37  }
0xa3: {  	v34 =	vmax.f32 v57, $0.0e+00;
	vm12 =	vge.f32 v31, $-5.000000000e+00;
	vm13 =	vlt.f32 v31, $3.000000000e+00  }
0xa4: {  	vm7 =	veq.f32 v53, v55;
	v24 =	vtrunc.f32 v24;
	v34 =	vmin.f32 v34, v17  }
0xa5: {  	vm0 =	vmand vm12, vm0;
	v24 =	vcvt.f32.s32 v24;
	v62 =	vmul.f32 $6.553700000e+04, v28  }
0xa6: {  	v41 =	vmul.f32 $6.553700000e+04, v27;
	v29 =	vsub.f32 v43, v60;
	v32 =	vmul.f32 v51, v32  }
0xa7: {  	v34 =	vsub.f32 v34, v15;
	v51 =	vld [tilespmem:s20+$0xCD0];
	vm0 =	vmand vm13, vm0;
	v28 =	vsub.f32 v62, v28  }
0xa8: {  	v27 =	vsub.f32 v41, v27;
	v58 =	vsub.f32 v43, v29;
	v59 =	vmul.f32 v32, v33  }
0xa9: {  	v25 =	vnsel vm0, $0xFFFFFFFF, v25;
	v24 =	vnsel vm0, $0xFFFFFFFF, v24;
	v35 =	vsub.f32 v62, v28  }
0xaa: {  	v27 =	vsub.f32 v41, v27;
	v29 =	vmul.f32 v59, v32;
	v62 =	vmul.f32 v58, v1  }
0xab: {  	v28 =	vmax.f32 v56, $0.0e+00;
	v48 =	vmul.f32 v58, v9;
	v36 =	vmul.f32 v58, v4  }
0xac: {  	v56 =	vcvt.f32.s32 v55;
	v28 =	vmin.f32 v28, v20;
	v54 =	vadd.f32 $5.000000000e-01, v51  }
0xad: {  	v60 =	vmul.f32 v35, v6;
	v61 =	vmul.f32 v27, v7;
	v28 =	vsub.f32 v28, v19  }
0xae: {  	v63 =	vmul.f32 v35, v11;
	v44 =	vsub.f32 $1.500000000e+00, v29;
	v45 =	vmul.f32 v27, v13  }
0xaf: {  	v55 =	vld [tilespmem:s20+$0xCE0];
	v35 =	vmul.f32 v35, v12;
	v27 =	vmul.f32 v27, v8;
	v59 =	vand.u32 $0x1, v56  }
0xb0: {  	v40 =	vtrunc.f32 v54;
	vm8 =	veq.s32 v59, $0x1;
	v29 =	vmul.f32 v28, v18  }
0xb1: {  	v28 =	vmul.f32 v34, v16;
	v41 =	vmul.f32 v44, v32;
	v37 =	vadd.f32 v61, v60  }
0xb2: {  	v34 =	vadd.f32 v45, v63;
	v35 =	vadd.f32 v27, v35;
	vm2 =	vmand vm7, vm8  }
0xb3: {  	v32 =	vld [tilespmem:s20+$0x1920];
	v58 =	vcvt.f32.s32 v40;
	vm9 =	veq.f32 v54, v40;
	v45 =	vsel vm2, $0xFFFFFFFF, v0  }
0xb4: {  	v42 =	vadd.f32 $5.000000000e-01, v55;
	v46 =	vmul.f32 v29, v29;
	v47 =	vmul.f32 v28, v28  }
0xb5: {  	v37 =	vadd.f32 v37, v62;
	v33 =	vmul.f32 v41, v33;
	v60 =	vand.u32 $0x1, v58  }
0xb6: {  	v34 =	vadd.f32 v34, v48;
	v39 =	vadd.s32 v56, v45;
	vm10 =	veq.s32 v60, $0x1  }
0xb7: {  	v39 =	vcvt.s32.f32 v39;
	v38 =	vadd.f32 v47, v46;
	v50 =	vmul.f32 v33, v41  }
0xb8: {  	vm3 =	vmand vm9, vm10;
	v52 =	vmul.f32 v37, v32;
	v34 =	vmul.f32 v34, v32  }
0xb9: {  	v46 =	vsel vm3, $0xFFFFFFFF, v0;
	v49 =	vmax.f32 v39, $0.0e+00;
	v38 =	vadd.f32 $1.000000000e+00, v38  }
0xba: {  	v31 =	vsub.f32 $1.500000000e+00, v50;
	v47 =	vadd.s32 v58, v46;
	v33 =	vadd.f32 v52, v2  }
0xbb: {  	v27 =	vadd.f32 v34, v5;
	v34 =	vadd.f32 v35, v36;
	v40 =	vcvt.s32.f32 v47  }
0xbc: {  	v51 =	vld [tilespmem:s20+$0x60];
	v52 =	vmin.f32 v49, v20;
	(erf) = vrcp.f32 v38;
	v31 =	vmul.f32 v31, v41  }
0xbd: {  	v38 =	vmul.f32 $5.000000000e-01, v38;
	vm14 =	vge.f32 v33, $-5.120000080e+01;
	vm15 =	vlt.f32 v33, $5.120000080e+01  }
0xbe: {  	vm6 =	vge.f32 v27, $-5.120000080e+01;
	vm11 =	vlt.f32 v27, $5.120000080e+01;
	v32 =	vmul.f32 v34, v32  }
0xbf: {  	v33 =	vadd.f32 $5.120000080e+01, v33;
	v27 =	vadd.f32 $5.120000080e+01, v27;
	v30 =	vmul.f32 v31, v30  }
0xc0: {  	v50 =	vmax.f32 v40, $0.0e+00;
	v26 =	vmul.f32 v31, v26;
	v54 =	vmul.f32 $6.553700000e+04, v31  }
0xc1: {  	v40 =	vadd.f32 $5.000000000e-01, v51;
	v33 =	vmul.f32 $1.953124880e+00, v33;
	v27 =	vmul.f32 $1.953124880e+00, v27  }
0xc2: {  	vm1 =	vmand vm14, vm6;
	v57 =	vmul.f32 $6.553700000e+04, v30;
	v63 =	vmul.f32 $6.553700000e+04, v26  }
0xc3: {  	v47 =	vtrunc.f32 v40;
	v58 =	vsub.f32 v54, v31;
	v33 =	vmax.f32 v33, $0.0e+00  }
0xc4: {  	v27 =	vmax.f32 v27, $0.0e+00;
	v30 =	vsub.f32 v57, v30;
	v26 =	vsub.f32 v63, v26  }
0xc5: {  	v46 =	vld [tilespmem:s20+$0x70];
	v39 =	vsub.f32 v54, v58;
	v33 =	vmin.f32 v33, v10;
	v27 =	vmin.f32 v27, v14  }
0xc6: {  	v33 =	vtrunc.f32 v33;
	v27 =	vtrunc.f32 v27;
	v41 =	vsub.f32 v57, v30;
	v61 =	vpop (erf)  }
0xc7: {  	v30 =	vsub.f32 v52, v19;
	v49 =	vmul.f32 v39, v1;
	v62 =	vmul.f32 v61, v38  }
0xc8: {  	v26 =	vsub.f32 v63, v26;
	v33 =	vcvt.f32.s32 v33;
	v56 =	vmul.f32 v41, v6  }
0xc9: {  	v53 =	vmin.f32 v50, v17;
	v31 =	vmul.f32 v30, v18;
	v35 =	vmul.f32 v62, v61  }
0xca: {  	v59 =	vmul.f32 v26, v7;
	v58 =	vmul.f32 v41, v11;
	v62 =	vadd.f32 $5.000000000e-01, v46  }
0xcb: {  	v41 =	vmul.f32 v41, v12;
	v48 =	vsub.f32 $1.500000000e+00, v35;
	v35 =	vsub.f32 v53, v15  }
0xcc: {  	vm1 =	vmand vm1, vm15;
	v60 =	vmul.f32 v31, v31;
	v52 =	vtrunc.f32 v62  }
0xcd: {  	vm1 =	vmand vm11, vm1;
	v37 =	vmul.f32 v48, v61;
	v30 =	vmul.f32 v35, v16  }
0xce: {  	vm8 =	veq.f32 v62, v52;
	v62 =	vmul.f32 v39, v9;
	v48 =	vld [tilespmem:s20+$0xCF0];
	v61 =	vtrunc.f32 v42  }
0xcf: {  	vm12 =	veq.f32 v40, v47;
	v57 =	vmul.f32 v37, v38;
	v45 =	vmul.f32 v30, v30  }
0xd0: {  	v35 =	vadd.f32 v59, v56;
	v59 =	vmul.f32 v26, v13;
	v26 =	vmul.f32 v26, v8  }
0xd1: {  	v43 =	vmul.f32 v57, v37;
	v44 =	vadd.f32 v45, v60;
	v45 =	vcvt.f32.s32 v47  }
0xd2: {  	vm14 =	veq.f32 v42, v61;
	v42 =	vadd.f32 v59, v58;
	v26 =	vadd.f32 v26, v41  }
0xd3: {  	v63 =	vadd.f32 $5.000000000e-01, v48;
	v43 =	vsub.f32 $1.500000000e+00, v43;
	v50 =	vand.u32 $0x1, v45  }
0xd4: {  	v60 =	vadd.f32 v35, v49;
	v42 =	vadd.f32 v42, v62;
	vm13 =	veq.s32 v50, $0x1  }
0xd5: {  	v53 =	vtrunc.f32 v63;
	v36 =	vmul.f32 v43, v37;
	v43 =	vadd.f32 $1.000000000e+00, v44  }
0xd6: {  	v44 =	vcvt.f32.s32 v61;
	vm2 =	vmand vm12, vm13;
	v37 =	vcvt.f32.s32 v52  }
0xd7: {  	v50 =	vcvt.f32.s32 v53;
	vm10 =	veq.f32 v63, v53;
	v54 =	vsel vm2, $0xFFFFFFFF, v0  }
0xd8: {  	(erf) = vrcp.f32 v43;
	v51 =	vand.u32 $0x1, v44;
	v55 =	vand.u32 $0x1, v37  }
0xd9: {  	v56 =	vand.u32 $0x1, v50;
	v57 =	vmul.f32 v36, v38;
	v43 =	vmul.f32 $5.000000000e-01, v43  }
0xda: {  	v46 =	vld [tilespmem:s20+$0x1930];
	v53 =	vadd.s32 v45, v54;
	vm15 =	veq.s32 v51, $0x1;
	vm9 =	veq.s32 v55, $0x1  }
0xdb: {  	vm11 =	veq.s32 v56, $0x1;
	v55 =	vmul.f32 v39, v4;
	v58 =	vcvt.s32.f32 v53  }
0xdc: {  	vm3 =	vmand vm14, vm15;
	vm2 =	vmand vm10, vm11;
	v61 =	vmul.f32 v57, v36  }
0xdd: {  	v57 =	vadd.f32 v32, v3;
	v40 =	vsel vm3, $0xFFFFFFFF, v0;
	vm3 =	vmand vm8, vm9  }
0xde: {  	v26 =	vadd.f32 v26, v55;
	v32 =	vmax.f32 v58, $0.0e+00;
	v58 =	vcvt.f32.s32 v27  }
0xdf: {  	v35 =	vsub.f32 $1.500000000e+00, v61;
	v40 =	vadd.s32 v44, v40;
	v44 =	vmul.f32 v60, v46  }
0xe0: {  	v60 =	vmul.f32 v42, v46;
	v32 =	vmin.f32 v32, v20;
	vm12 =	vge.f32 v57, $-5.000000000e+00  }
0xe1: {  	vm13 =	vlt.f32 v57, $3.000000000e+00;
	v59 =	vcvt.s32.f32 v40;
	v35 =	vmul.f32 v35, v36  }
0xe2: {  	v48 =	vsub.f32 v32, v19;
	vm14 =	vmand vm12, vm1;
	v44 =	vadd.f32 v44, v2  }
0xe3: {  	v60 =	vadd.f32 v60, v5;
	v36 =	vmax.f32 v59, $0.0e+00;
	v38 =	vmul.f32 v35, v38  }
0xe4: {  	v34 =	vmul.f32 v48, v18;
	v36 =	vmin.f32 v36, v17;
	vm15 =	vge.f32 v44, $-5.120000080e+01;
	v63 =	vpop (erf)  }
0xe5: {  	vm6 =	vlt.f32 v44, $5.120000080e+01;
	v52 =	vmul.f32 v63, v43;
	v61 =	vmul.f32 v38, v35  }
0xe6: {  	vm7 =	vge.f32 v60, $-5.120000080e+01;
	vm8 =	vlt.f32 v60, $5.120000080e+01;
	v49 =	vsub.f32 v36, v15  }
0xe7: {  	v54 =	vmul.f32 v52, v63;
	v51 =	vsub.f32 $1.500000000e+00, v61;
	v52 =	vsel vm3, $0xFFFFFFFF, v0  }
0xe8: {  	v55 =	vmul.f32 v34, v34;
	v32 =	vmul.f32 v49, v16;
	v37 =	vadd.s32 v37, v52  }
0xe9: {  	v56 =	vsub.f32 $1.500000000e+00, v54;
	v35 =	vmul.f32 v51, v35;
	v54 =	vsel vm2, $0xFFFFFFFF, v0  }
0xea: {  	v37 =	vcvt.s32.f32 v37;
	vm2 =	vmand vm15, vm7;
	v36 =	vadd.s32 v50, v54  }
0xeb: {  	vm1 =	vmand vm2, vm6;
	v39 =	vmul.f32 v56, v63;
	v63 =	vmul.f32 v26, v46  }
0xec: {  	v56 =	vmul.f32 v32, v32;
	v26 =	vsel vm0, $0x1, v0;
	vm0 =	vmand vm13, vm14  }
0xed: {  	v37 =	vmax.f32 v37, $0.0e+00;
	v29 =	vmul.f32 v35, v29;
	v36 =	vcvt.s32.f32 v36  }
0xee: {  	v28 =	vmul.f32 v35, v28;
	v20 =	vmin.f32 v37, v20;
	v62 =	vmul.f32 v39, v43  }
0xef: {  	v47 =	vmul.f32 $6.553700000e+04, v35;
	v27 =	vsel vm0, $0x1, v0;
	v59 =	vsub.f32 v20, v19  }
0xf0: {  	v20 =	vnsel vm0, $0xFFFFFFFF, v58;
	v19 =	vnsel vm0, $0xFFFFFFFF, v33;
	v38 =	vmul.f32 v62, v39  }
0xf1: {  	v40 =	vadd.f32 v63, v3;
	v63 =	vadd.f32 $5.120000080e+01, v44;
	v36 =	vmax.f32 v36, $0.0e+00  }
0xf2: {  	v45 =	vmul.f32 $6.553700000e+04, v29;
	v53 =	vsub.f32 $1.500000000e+00, v38;
	v38 =	vadd.f32 v56, v55  }
0xf3: {  	v33 =	vadd.f32 $5.120000080e+01, v60;
	v46 =	vmul.f32 $6.553700000e+04, v28;
	v35 =	vsub.f32 v47, v35  }
0xf4: {  	v17 =	vmin.f32 v36, v17;
	v39 =	vmul.f32 v53, v39;
	v38 =	vadd.f32 $1.000000000e+00, v38  }
0xf5: {  	v18 =	vmul.f32 v59, v18;
	v15 =	vsub.f32 v17, v15;
	v29 =	vsub.f32 v45, v29  }
0xf6: {  	v28 =	vsub.f32 v46, v28;
	(erf) = vrcp.f32 v38;
	v57 =	vmul.f32 v39, v43  }
0xf7: {  	vm0 =	vmand vm8, vm1;
	v42 =	vmul.f32 $1.953124880e+00, v63;
	v15 =	vmul.f32 v15, v16  }
0xf8: {  	v29 =	vsub.f32 v45, v29;
	v17 =	vsub.f32 v46, v28;
	v37 =	vmul.f32 v57, v39  }
0xf9: {  	v49 =	vmul.f32 v18, v18;
	v16 =	vsub.f32 v47, v35;
	v50 =	vmul.f32 v15, v15  }
0xfa: {  	v33 =	vmul.f32 $1.953124880e+00, v33;
	v54 =	vmul.f32 v29, v6;
	v37 =	vsub.f32 $1.500000000e+00, v37  }
0xfb: {  	v55 =	vmul.f32 v17, v7;
	v56 =	vmul.f32 v16, v1;
	v28 =	vadd.f32 v50, v49  }
0xfc: {  	vm9 =	vge.f32 v40, $-5.000000000e+00;
	v58 =	vmul.f32 v17, v13;
	v37 =	vmul.f32 v37, v39  }
0xfd: {  	v17 =	vmul.f32 v17, v8;
	v38 =	vmul.f32 $5.000000000e-01, v38;
	v28 =	vadd.f32 $1.000000000e+00, v28  }
0xfe: {  	v42 =	vmax.f32 v42, $0.0e+00;
	v57 =	vmul.f32 v29, v11;
	v48 =	vmul.f32 v37, v43  }
0xff: {  	v33 =	vmax.f32 v33, $0.0e+00;
	v29 =	vmul.f32 v29, v12;
	v61 =	vpop (erf);
	(erf) = vrcp.f32 v28  }
0x100: {  	v63 =	vld [tilespmem:s20+$0x1940];
	v42 =	vmin.f32 v42, v10;
	v62 =	vmul.f32 v61, v38;
	v36 =	vmul.f32 v48, v37  }
0x101: {  	v59 =	vmul.f32 v16, v9;
	v16 =	vmul.f32 v16, v4;
	v17 =	vadd.f32 v17, v29  }
0x102: {  	v33 =	vmin.f32 v33, v14;
	v41 =	vmul.f32 v62, v61;
	v52 =	vsub.f32 $1.500000000e+00, v36  }
0x103: {  	v42 =	vtrunc.f32 v42;
	v33 =	vtrunc.f32 v33;
	v16 =	vadd.f32 v17, v16  }
0x104: {  	v33 =	vcvt.f32.s32 v33;
	v41 =	vsub.f32 $1.500000000e+00, v41;
	v35 =	vmul.f32 v52, v37  }
0x105: {  	vm10 =	vlt.f32 v40, $3.000000000e+00;
	v44 =	vmul.f32 $5.000000000e-01, v28;
	v49 =	vmul.f32 v16, v63  }
0x106: {  	vm0 =	vmand vm9, vm0;
	v39 =	vmul.f32 v41, v61;
	v31 =	vmul.f32 v35, v31  }
0x107: {  	v41 =	vadd.f32 v55, v54;
	v30 =	vmul.f32 v35, v30;
	v48 =	vmul.f32 $6.553700000e+04, v35  }
0x108: {  	vm0 =	vmand vm10, vm0;
	v51 =	vmul.f32 v39, v38;
	v60 =	vmul.f32 $6.553700000e+04, v31  }
0x109: {  	v37 =	vadd.f32 v41, v56;
	v62 =	vmul.f32 $6.553700000e+04, v30;
	v46 =	vpop (erf);
	v35 =	vsub.f32 v48, v35  }
0x10a: {  	v47 =	vmul.f32 v46, v44;
	v53 =	vmul.f32 v51, v39;
	v31 =	vsub.f32 v60, v31  }
0x10b: {  	v28 =	vcvt.f32.s32 v42;
	v30 =	vsub.f32 v62, v30;
	v35 =	vsub.f32 v48, v35  }
0x10c: {  	v37 =	vmul.f32 v37, v63;
	v41 =	vmul.f32 v47, v46;
	v36 =	vsub.f32 $1.500000000e+00, v53  }
0x10d: {  	v29 =	vsub.f32 v60, v31;
	v30 =	vsub.f32 v62, v30;
	v53 =	vmul.f32 v35, v1  }
0x10e: {  	v28 =	vnsel vm0, $0xFFFFFFFF, v28;
	v60 =	vmul.f32 v35, v4;
	v36 =	vmul.f32 v36, v39  }
0x10f: {  	v48 =	vadd.f32 v49, v3;
	v50 =	vmul.f32 v29, v6;
	v52 =	vmul.f32 v30, v7  }
0x110: {  	v37 =	vadd.f32 v37, v2;
	v54 =	vmul.f32 v29, v11;
	v61 =	vmul.f32 v36, v38  }
0x111: {  	v51 =	vsub.f32 $1.500000000e+00, v41;
	v56 =	vmul.f32 v30, v13;
	v29 =	vmul.f32 v29, v12  }
0x112: {  	v39 =	vadd.f32 v58, v57;
	v30 =	vmul.f32 v30, v8;
	v43 =	vmul.f32 v61, v36  }
0x113: {  	vm12 =	vge.f32 v48, $-5.000000000e+00;
	v58 =	vmul.f32 v35, v9;
	v17 =	vmul.f32 v51, v46  }
0x114: {  	vm11 =	vge.f32 v37, $-5.120000080e+01;
	v39 =	vadd.f32 v39, v59;
	v45 =	vsub.f32 $1.500000000e+00, v43  }
0x115: {  	vm15 =	vlt.f32 v37, $5.120000080e+01;
	v37 =	vadd.f32 $5.120000080e+01, v37;
	v55 =	vmul.f32 v17, v44  }
0x116: {  	v40 =	vadd.f32 v56, v54;
	v39 =	vmul.f32 v39, v63;
	v31 =	vmul.f32 v45, v36  }
0x117: {  	v16 =	vadd.f32 v52, v50;
	v29 =	vadd.f32 v30, v29;
	v57 =	vmul.f32 v55, v17  }
0x118: {  	v63 =	vadd.f32 v40, v58;
	v39 =	vadd.f32 v39, v5;
	v45 =	vld [tilespmem:s20+$0x1950];
	v38 =	vmul.f32 v31, v38  }
0x119: {  	vm13 =	vlt.f32 v48, $3.000000000e+00;
	v29 =	vadd.f32 v29, v60;
	v59 =	vsub.f32 $1.500000000e+00, v57  }
0x11a: {  	v36 =	vadd.f32 v16, v53;
	v42 =	vadd.f32 $5.120000080e+01, v39;
	v38 =	vmul.f32 v38, v31  }
0x11b: {  	v16 =	vnsel vm0, $0xFFFFFFFF, v33;
	vm14 =	vge.f32 v39, $-5.120000080e+01;
	vm6 =	vlt.f32 v39, $5.120000080e+01  }
0x11c: {  	vm2 =	vmand vm11, vm14;
	v43 =	vmul.f32 $1.953124880e+00, v42;
	v38 =	vsub.f32 $1.500000000e+00, v38  }
0x11d: {  	vm2 =	vmand vm2, vm15;
	v36 =	vmul.f32 v36, v45;
	v29 =	vmul.f32 v29, v45  }
0x11e: {  	vm2 =	vmand vm6, vm2;
	v31 =	vmul.f32 v38, v31;
	v38 =	vmul.f32 v59, v17  }
0x11f: {  	vm1 =	vmand vm12, vm2;
	v36 =	vadd.f32 v36, v2;
	v29 =	vadd.f32 v29, v3  }
0x120: {  	v17 =	vsel vm0, $0x1, v0;
	v34 =	vmul.f32 v31, v34;
	v47 =	vmul.f32 v38, v44  }
0x121: {  	vm0 =	vmand vm13, vm1;
	v32 =	vmul.f32 v31, v32;
	v49 =	vmul.f32 $6.553700000e+04, v31  }
0x122: {  	vm7 =	vge.f32 v36, $-5.120000080e+01;
	v61 =	vmul.f32 $6.553700000e+04, v34;
	v35 =	vmul.f32 v47, v38  }
0x123: {  	vm9 =	vlt.f32 v36, $5.120000080e+01;
	v46 =	vmul.f32 $6.553700000e+04, v32;
	v31 =	vsub.f32 v49, v31  }
0x124: {  	vm12 =	vge.f32 v29, $-5.000000000e+00;
	v62 =	vsub.f32 v61, v34;
	v35 =	vsub.f32 $1.500000000e+00, v35  }
0x125: {  	vm13 =	vlt.f32 v29, $3.000000000e+00;
	v32 =	vsub.f32 v46, v32;
	v31 =	vsub.f32 v49, v31  }
0x126: {  	v34 =	vmul.f32 v63, v45;
	v33 =	vsub.f32 v61, v62;
	v35 =	vmul.f32 v35, v38  }
0x127: {  	v30 =	vsub.f32 v46, v32;
	v55 =	vmul.f32 v31, v1;
	v56 =	vmul.f32 v31, v9  }
0x128: {  	v47 =	vadd.f32 $5.120000080e+01, v36;
	v31 =	vmul.f32 v31, v4;
	v50 =	vmul.f32 v33, v6  }
0x129: {  	v34 =	vadd.f32 v34, v5;
	v51 =	vmul.f32 v30, v7;
	v52 =	vmul.f32 v33, v11  }
0x12a: {  	v45 =	vmax.f32 v43, $0.0e+00;
	v53 =	vmul.f32 v30, v13;
	v54 =	vmul.f32 v35, v44  }
0x12b: {  	v33 =	vmul.f32 v33, v12;
	v30 =	vmul.f32 v30, v8;
	vm8 =	vge.f32 v34, $-5.120000080e+01  }
0x12c: {  	vm10 =	vlt.f32 v34, $5.120000080e+01;
	v46 =	vadd.f32 $5.120000080e+01, v34;
	vm2 =	vmand vm7, vm8  }
0x12d: {  	v59 =	vld [tilespmem:s20+$0x1960];
	v40 =	vadd.f32 v51, v50;
	v32 =	vadd.f32 v53, v52;
	v41 =	vmul.f32 v54, v35  }
0x12e: {  	v30 =	vadd.f32 v30, v33;
	vm2 =	vmand vm2, vm9;
	v49 =	vmul.f32 $1.953124880e+00, v46  }
0x12f: {  	v50 =	vmul.f32 $1.953124880e+00, v47;
	v53 =	vsel vm0, $0x1, v0;
	v57 =	vsub.f32 $1.500000000e+00, v41  }
0x130: {  	vm11 =	vmand vm10, vm2;
	v40 =	vadd.f32 v40, v55;
	v32 =	vadd.f32 v32, v56  }
0x131: {  	v30 =	vadd.f32 v30, v31;
	vm1 =	vmand vm12, vm11;
	v58 =	vmul.f32 v57, v35  }
0x132: {  	v51 =	vmax.f32 v49, $0.0e+00;
	v60 =	vmul.f32 v40, v59;
	v32 =	vmul.f32 v32, v59  }
0x133: {  	vm1 =	vmand vm13, vm1;
	v30 =	vmul.f32 v30, v59;
	v40 =	vmul.f32 $1.953124880e+00, v37  }
0x134: {  	v56 =	vsel vm1, $0x1, v0;
	v18 =	vmul.f32 v58, v18;
	v15 =	vmul.f32 v58, v15  }
0x135: {  	v61 =	vadd.f32 v60, v2;
	v32 =	vadd.f32 v32, v5;
	v41 =	vmul.f32 $6.553700000e+04, v58  }
0x136: {  	v30 =	vadd.f32 v30, v3;
	v44 =	vmax.f32 v40, $0.0e+00;
	v62 =	vmul.f32 $6.553700000e+04, v18  }
0x137: {  	v63 =	vmul.f32 $6.553700000e+04, v15;
	vm14 =	vge.f32 v61, $-5.120000080e+01;
	vm15 =	vge.f32 v32, $-5.120000080e+01  }
0x138: {  	vm6 =	vlt.f32 v61, $5.120000080e+01;
	vm7 =	vlt.f32 v32, $5.120000080e+01;
	v33 =	vsub.f32 v41, v58  }
0x139: {  	vm8 =	vge.f32 v30, $-5.000000000e+00;
	v52 =	vadd.f32 $5.120000080e+01, v61;
	v54 =	vadd.f32 $5.120000080e+01, v32  }
0x13a: {  	vm9 =	vlt.f32 v30, $3.000000000e+00;
	vm2 =	vmand vm14, vm15;
	v18 =	vsub.f32 v62, v18  }
0x13b: {  	v15 =	vsub.f32 v63, v15;
	vm2 =	vmand vm2, vm6;
	v33 =	vsub.f32 v41, v33  }
0x13c: {  	[tilespmem:s20+$0x3E00] =	vst v22;
	v22 =	vmul.f32 $1.953124880e+00, v54;
	vm2 =	vmand vm7, vm2;
	v18 =	vsub.f32 v62, v18  }
0x13d: {  	v15 =	vsub.f32 v63, v15;
	v9 =	vmul.f32 v33, v9;
	v1 =	vmul.f32 v33, v1  }
0x13e: {  	v22 =	vmax.f32 v22, $0.0e+00;
	v4 =	vmul.f32 v33, v4;
	v11 =	vmul.f32 v18, v11  }
0x13f: {  	v57 =	vmin.f32 v22, v14;
	v13 =	vmul.f32 v15, v13;
	v6 =	vmul.f32 v18, v6  }
0x140: {  	v12 =	vmul.f32 v18, v12;
	v18 =	vmin.f32 v45, v14;
	v7 =	vmul.f32 v15, v7  }
0x141: {  	v8 =	vmul.f32 v15, v8;
	v15 =	vmin.f32 v51, v14;
	v58 =	vtrunc.f32 v57  }
0x142: {  	vm2 =	vmand vm8, vm2;
	v48 =	vtrunc.f32 v18;
	v15 =	vtrunc.f32 v15  }
0x143: {  	[tilespmem:s20+$0x3180] =	vst v21;
	v18 =	vmul.f32 $1.953124880e+00, v52;
	v11 =	vadd.f32 v13, v11;
	v13 =	vmin.f32 v44, v10  }
0x144: {  	[tilespmem:s20+$0x4A80] =	vst v23;
	v6 =	vadd.f32 v7, v6;
	v7 =	vcvt.f32.s32 v48;
	v15 =	vcvt.f32.s32 v15  }
0x145: {  	[tilespmem:s20+$0x3E10] =	vst v25;
	v55 =	vld [tilespmem:s20+$0x1970];
	v8 =	vadd.f32 v8, v12;
	v13 =	vtrunc.f32 v13;
	v18 =	vmax.f32 v18, $0.0e+00  }
0x146: {  	[tilespmem:s20+$0x4A90] =	vst v24;
	v9 =	vadd.f32 v11, v9;
	v13 =	vcvt.f32.s32 v13;
	v7 =	vnsel vm0, $0xFFFFFFFF, v7  }
0x147: {  	[tilespmem:s20+$0x3190] =	vst v26;
	v11 =	vmax.f32 v50, $0.0e+00;
	v15 =	vnsel vm1, $0xFFFFFFFF, v15;
	v18 =	vmin.f32 v18, v10  }
0x148: {  	[tilespmem:s20+$0x31A0] =	vst v27;
	v1 =	vadd.f32 v6, v1;
	v6 =	vcvt.f32.s32 v58;
	v11 =	vmin.f32 v11, v10  }
0x149: {  	[tilespmem:s20+$0x3E20] =	vst v20;
	v4 =	vadd.f32 v8, v4;
	v18 =	vtrunc.f32 v18;
	v11 =	vtrunc.f32 v11  }
0x14a: {  	[tilespmem:s20+$0x4AA0] =	vst v19;
	v13 =	vnsel vm0, $0xFFFFFFFF, v13;
	v9 =	vmul.f32 v9, v55;
	v1 =	vmul.f32 v1, v55  }
0x14b: {  	[tilespmem:s20+$0x4AB0] =	vst v28;
	vm0 =	vmand vm9, vm2;
	v59 =	vcvt.f32.s32 v18;
	v4 =	vmul.f32 v4, v55  }
0x14c: {  	[tilespmem:s20+$0x3E30] =	vst v16;
	v11 =	vcvt.f32.s32 v11;
	v60 =	vsel vm0, $0x1, v0;
	v5 =	vadd.f32 v9, v5  }
0x14d: {  	[tilespmem:s20+$0x31B0] =	vst v17;
	v6 =	vnsel vm0, $0xFFFFFFFF, v6;
	v1 =	vadd.f32 v1, v2;
	v2 =	vnsel vm0, $0xFFFFFFFF, v59  }
0x14e: {  	[tilespmem:s20+$0x31C0] =	vst v53;
	v3 =	vadd.f32 v4, v3;
	v11 =	vnsel vm1, $0xFFFFFFFF, v11;
	v61 =	vadd.f32 $5.120000080e+01, v5  }
0x14f: {  	[tilespmem:s20+$0x31D0] =	vst v56;
	vm10 =	vge.f32 v1, $-5.120000080e+01;
	vm11 =	vge.f32 v5, $-5.120000080e+01;
	v62 =	vadd.f32 $5.120000080e+01, v1  }
0x150: {  	[tilespmem:s20+$0x3E40] =	vst v7;
	vm12 =	vlt.f32 v1, $5.120000080e+01;
	vm13 =	vlt.f32 v5, $5.120000080e+01;
	v1 =	vmul.f32 $1.953124880e+00, v61  }
0x151: {  	[tilespmem:s20+$0x3E50] =	vst v15;
	vm14 =	vge.f32 v3, $-5.000000000e+00;
	vm0 =	vmand vm10, vm11;
	v63 =	vmul.f32 $1.953124880e+00, v62  }
0x152: {  	[tilespmem:s20+$0x4AC0] =	vst v13;
	vm15 =	vlt.f32 v3, $3.000000000e+00;
	vm0 =	vmand vm0, vm12;
	v1 =	vmax.f32 v1, $0.0e+00  }
0x153: {  	[tilespmem:s20+$0x31E0] =	vst v60;
	vm0 =	vmand vm13, vm0;
	v4 =	vmax.f32 v63, $0.0e+00;
	v1 =	vmin.f32 v1, v14  }
0x154: {  	p0 =	sne.s32 s19, $0x3000;
	[tilespmem:s20+$0x3E60] =	vst v6;
	vm0 =	vmand vm14, vm0;
	v3 =	vmin.f32 v4, v10;
	v1 =	vtrunc.f32 v1  }
.Ltmp0:
0x155: {  	[tilespmem:s20+$0x4AE0] =	vst v2;
	vm0 =	vmand vm15, vm0;
	v3 =	vtrunc.f32 v3;
	v1 =	vcvt.f32.s32 v1;
	(pc) =	sbr.rel @p0 .LBB2_2-.Ltmp0, $4  }
0x156: {  	[tilespmem:s20+$0x4AD0] =	vst v11;
	v2 =	vcvt.f32.s32 v3;
	v3 =	vsel vm0, $0x1, v0  }
0x157: {  	[tilespmem:s20+$0x31F0] =	vst v3;
	v1 =	vnsel vm0, $0xFFFFFFFF, v1  }
0x158: {  	[tilespmem:s20+$0x3E70] =	vst v1;
	v1 =	vnsel vm0, $0xFFFFFFFF, v2  }
0x159: {  	s19 =	sadd.s32 $0x200, s19;
	[tilespmem:s20+$0x4AF0] =	vst v1  }
0x15a: {  	[hbm4b:s7+s3] =	stream.linear.scatter [tilespmem:s15], [sflag:$0x1], $0xC80, $0x38;
	[tilespmem:$0x5700] =	vst v63  }
0x15b: {  	_ =	swait.ge [sflag:s11], $0xC80  }
0x15c: {  	[sflag:s11] =	ssyncset.done $0x0  }
0x15d: {  	[sflag:s11] =	ssyncadd.s32 $0xFFFFF380  }
0x15e: {  	[hbm4b:s8+s3] =	stream.linear.scatter [tilespmem:s16], [sflag:$0x1], $0xC80, $0x38;
	[tilespmem:$0x5700] =	vst v63  }
0x15f: {  	s18 =	sadd.s32 $0x1, s18;
	_ =	swait.ge [sflag:s11], $0xC80  }
0x160: {  	p0 =	sne.s32 s18, s10;
	[sflag:s11] =	ssyncset.done $0x0  }
.Ltmp1:
0x161: {  	[sflag:s11] =	ssyncadd.s32 $0xFFFFF380;
	(pc) =	sbr.rel @p0 .LBB2_1-.Ltmp1, $4  }
0x162: {  	[hbm4b:s9+s3] =	stream.linear.scatter [tilespmem:s17], [sflag:$0x1], $0xC80, $0x38;
	[tilespmem:$0x5700] =	vst v63  }
0x163: {  	_ =	swait.ge [sflag:s11], $0xC80  }
0x164: {  	[sflag:s11] =	ssyncset.done $0x0  }
0x165: {  	[sflag:s11] =	ssyncadd.s32 $0xFFFFF380  }
0x166: {  	_ =	sfence.sel $0x180000  }
0x167: {  	[bflag:$0x0] =	sbarrier.arrive $0xFFFF  }
0x168: {  	p0 =	sne.s32 s0, $0x0;
	_ =	strace $0x90000047  }
0x169: {  	s0 =	sadd.s32 @!p0 $0x100000, s1;
	[bflag:$0x2] =	sbarrier.arrive $0xFFFF  }
0x16a: {  	[sflag:s0] =	ssyncadd.tile.s32 @!p0 $0x1;
	_ =	shalt  }
.Lfunc_end2:
_tile_overlayer_lowered:
.L_overlay_start_2:
0x16b: {  	(tag) =	ssettag $0x2  }
0x16c: {  	s0 =	rddreg [dreg:$0x0];
	s2 =	stileid.u32  }
0x16d: {  	s1 =	rddreg [dreg:$0x1];
	p0 =	sne.s32 s2, $0x0  }
0x16e: {  	s3 =	rddreg [dreg:$0x2];
	[bflag:$0x3] =	sbarrier.arrive $0xFFFF;
	s2 =	simm.s32 @!p0 $0x1C01  }
0x16f: {  	[timem:s3], [sflag:s2] =	dma.local @!p0 [hbm:s0], s1  }
0x170: {  	s0 =	simm.s32 @!p0 $0x1  }
0x171: {  	_ =	swait.ge @!p0 [sflag:s0], s1  }
0x172: {  	s1 =	ssub.s32 @!p0 $0x0, s1;
	[sflag:s0] =	ssyncset.done @!p0 $0x0  }
0x173: {  	[sflag:s0] =	ssyncadd.s32 @!p0 s1  }
0x174: {  	[bflag:$0x3] =	sbarrier.arrive $0xFFFF  }
0x175: {  	_ =	shalt  }

</sc_bundles>
